<compile_context>
chip_gen: v7x
topology: tpu7x:2x2x1
jax: 0.10.2.dev20260603
libtpu: 0.0.44.dev20260713+nightly
codegen_flags: <defaults>
</compile_context>

<pallas_src>
import functools

import jax
import jax.numpy as jnp
from jax import lax
from jax.experimental import pallas as pl
from jax.experimental.pallas import tpu as pltpu
from jax.experimental.pallas import tpu_sc as plsc

H = 18
A = 4
N = 100000
K = 64
TEMPERATURE = 1.0
MOMENTUM = 0.1

NS = 16
CH = 6272
NPAD = NS * CH
NV = CH // 16

_i32 = jnp.int32
_u32 = jnp.uint32
_f32 = jnp.float32


def _iota():
    return lax.iota(_i32, 16)


def _lane(vec, j):
    return jnp.sum(jnp.where(_iota() == j, vec, 0))


def _scal(vec):
    return jnp.max(vec)


def _body(vp_hbm, act_hbm, mean_hbm, out_hbm,
          vals, keys, sstg, h2a, s2, evb, eib, wbuf, ebv, ebi,
          gidx, colb, rows, accb, meanv, orow, lmx, shx, sem):
    wid = lax.axis_index("s")
    base = wid * CH
    it = _iota()
    ones16 = jnp.ones((16,), _i32)
    zeros16 = jnp.zeros((16,), _i32)

    pltpu.sync_copy(vp_hbm.at[pl.ds(base, CH)], vals)
    pltpu.sync_copy(mean_hbm, meanv)

    def p1(i, mvec):
        v = vals[pl.ds(i * 16, 16)]
        u = plsc.bitcast(v, _u32)
        neg = u >= jnp.uint32(0x80000000)
        key = jnp.where(neg, u ^ jnp.uint32(0xFFFFFFFF),
                        u | jnp.uint32(0x80000000))
        keys[pl.ds(i * 16, 16)] = key
        return jnp.maximum(mvec, v)

    mvec = lax.fori_loop(0, NV, p1, jnp.full((16,), -jnp.inf, _f32))
    vmax_l = jnp.max(mvec)

    def rnd(r, carry):
        p, pm, need = carry
        shift = jnp.uint32(24) - jnp.uint32(8) * r.astype(_u32)

        def z(j, c):
            sstg[pl.ds(j * 16, 16)] = zeros16
            return c

        lax.fori_loop(0, 16, z, 0)

        def cnt(i, c):
            kv = keys[pl.ds(i * 16, 16)]
            match = (kv & pm) == p
            dig = ((kv >> shift) & jnp.uint32(0xFF)).astype(_i32)
            plsc.addupdate_scatter(sstg, [dig], ones16, mask=match)
            return c

        lax.fori_loop(0, NV, cnt, 0)
        pltpu.sync_copy(sstg, shx.at[wid])
        plsc.subcore_barrier()
        pltpu.sync_copy(shx, lmx)

        def scan(j, c):
            tot, cvec = c
            row = 15 - j

            def tsum(t, acc):
                return acc + lmx[t, pl.ds(row * 16, 16)]

            cv = lax.fori_loop(0, NS, tsum, zeros16)
            h2a[row, :] = cv
            s = lax.rev(plsc.cumsum(lax.rev(cv, (0,))), (0,)) + tot
            s2[row, :] = s
            cvec = cvec + plsc.all_reduce_population_count(s >= need)
            return (tot + jnp.sum(cv), cvec)

        _, cvec = lax.fori_loop(0, 16, scan, (jnp.int32(0), zeros16))
        dstar = _scal(cvec) - 1
        dr = jnp.broadcast_to(dstar >> 4, (16,))
        dc = jnp.broadcast_to(dstar & 15, (16,))
        s_d = _scal(plsc.load_gather(s2, [dr, dc]))
        c_d = _scal(plsc.load_gather(h2a, [dr, dc]))
        need = need - (s_d - c_d)
        p = p | (dstar.astype(_u32) << shift)
        pm = pm | (jnp.uint32(0xFF) << shift)
        plsc.subcore_barrier()
        return (p, pm, need)

    T, _, m = lax.fori_loop(0, 4, rnd,
                            (jnp.uint32(0), jnp.uint32(0), jnp.int32(K)))

    def pA(i, c):
        g, e = c
        kv = keys[pl.ds(i * 16, 16)]
        g = g + jnp.where(kv > T, 1, 0)
        e = e + jnp.where(kv == T, 1, 0)
        return (g, e)

    gv, ev_ = lax.fori_loop(0, NV, pA, (zeros16, zeros16))
    gt_cnt = jnp.sum(gv)
    eq_cnt = jnp.sum(ev_)
    vmax_i = lax.bitcast_convert_type(vmax_l, _i32)
    sstg[pl.ds(0, 16)] = (jnp.where(it == 0, gt_cnt, 0)
                          + jnp.where(it == 1, eq_cnt, 0)
                          + jnp.where(it == 2, vmax_i, 0))
    pltpu.sync_copy(sstg, shx.at[wid])

    def zz(j, c):
        ebv[pl.ds(j * 16, 16)] = jnp.zeros((16,), _f32)
        ebi[pl.ds(j * 16, 16)] = zeros16
        return c

    lax.fori_loop(0, K // 16, zz, 0)
    plsc.subcore_barrier()
    pltpu.sync_copy(shx, lmx)
    gt_all = plsc.load_gather(lmx, [it, zeros16])
    eq_all = plsc.load_gather(lmx, [it, ones16])
    vm_all = plsc.bitcast(plsc.load_gather(lmx, [it, ones16 * 2]), _f32)
    gmax = jnp.max(vm_all)
    gt_pre = plsc.cumsum(gt_all)
    eq_pre = plsc.cumsum(eq_all)
    my_gt_base = _lane(gt_pre, wid) - _lane(gt_all, wid)
    my_eq_base = _lane(eq_pre, wid) - _lane(eq_all, wid)
    tot_gt = _lane(gt_pre, NS - 1)
    plsc.subcore_barrier()

    def pB(i, c):
        gtr, eqr = c
        kv = keys[pl.ds(i * 16, 16)]
        v = vals[pl.ds(i * 16, 16)]
        gt = kv > T
        eq = kv == T
        gtc = jnp.where(gt, 1, 0)
        eqc = jnp.where(eq, 1, 0)
        gtrank = gtr + plsc.cumsum(gtc) - 1
        eqrank = eqr + plsc.cumsum(eqc) - 1
        take = eq & ((my_eq_base + eqrank) < m)
        sel = gt | take
        slot = jnp.where(gt, my_gt_base + gtrank,
                         tot_gt + my_eq_base + eqrank)
        slot = jnp.clip(slot, 0, K - 1)
        gi = base + i * 16 + it
        plsc.store_scatter(ebv, [slot], v, mask=sel)
        plsc.store_scatter(ebi, [slot], gi, mask=sel)
        return (gtr + jnp.sum(gtc), eqr + jnp.sum(eqc))

    lax.fori_loop(0, NV, pB, (jnp.int32(0), jnp.int32(0)))

    def pk(j, c):
        sstg[pl.ds(j * 16, 16)] = plsc.bitcast(ebv[pl.ds(j * 16, 16)], _i32)
        sstg[pl.ds(K + j * 16, 16)] = ebi[pl.ds(j * 16, 16)]
        return c

    lax.fori_loop(0, K // 16, pk, 0)
    pltpu.sync_copy(sstg, shx.at[wid])
    plsc.subcore_barrier()
    pltpu.sync_copy(shx, lmx)

    def comb(j, c):
        def csum(t, acc):
            av, ai = acc
            return (av + lmx[t, pl.ds(j * 16, 16)],
                    ai + lmx[t, pl.ds(K + j * 16, 16)])

        av, ai = lax.fori_loop(0, NS, csum, (zeros16, zeros16))
        evb[j, :] = plsc.bitcast(av, _f32)
        eib[j, :] = ai
        return c

    lax.fori_loop(0, K // 16, comb, 0)

    def wsum(j, acc):
        e = jnp.exp(TEMPERATURE * (evb[j, :] - gmax))
        wbuf[j, :] = e
        return acc + jnp.sum(e)

    ssum = lax.fori_loop(0, K // 16, wsum, jnp.float32(0.0))
    norm = ssum * (1.0 + 1e-9)

    def wdiv(j, c):
        wbuf[j, :] = wbuf[j, :] / norm
        return c

    lax.fori_loop(0, K // 16, wdiv, 0)

    jq = it >> 2
    aq = it & 3
    for t in range(2):
        hh = wid + NS * t

        @pl.when(hh < H)
        def _(hh=hh):
            def gix(j, c):
                pos = eib[j, :]
                rb = hh * (782 * A) + ((pos >> 7) << 2)
                colb[pl.ds(j * 16, 16)] = pos & 127
                for a in range(A):
                    plsc.store_scatter(gidx, [(j * 16 + it) * 4 + a], rb + a)
                return c

            lax.fori_loop(0, K // 16, gix, 0)
            pltpu.async_copy(act_hbm.at[gidx], rows, sem).wait()

            def acc_f(vg, acc):
                j = vg * 4 + jq
                col = plsc.load_gather(colb, [j])
                rv = plsc.load_gather(rows, [j * 4 + aq, col])
                wr = plsc.load_gather(wbuf, [j >> 4, j & 15])
                return acc + rv * wr

            acc = lax.fori_loop(0, 16, acc_f, jnp.zeros((16,), _f32))
            accb[...] = acc
            s = (plsc.load_gather(accb, [aq])
                 + plsc.load_gather(accb, [aq + 4])
                 + plsc.load_gather(accb, [aq + 8])
                 + plsc.load_gather(accb, [aq + 12]))
            mr = plsc.load_gather(meanv, [hh * A + aq])
            orow[pl.ds(0, 16)] = MOMENTUM * mr + (1.0 - MOMENTUM) * s
            pltpu.sync_copy(orow, out_hbm.at[hh])


_sc_call = functools.partial(
    pl.kernel,
    out_type=jax.ShapeDtypeStruct((H, 128), _f32),
    mesh=plsc.VectorSubcoreMesh(core_axis_name="c", subcore_axis_name="s",
                                num_cores=1, num_subcores=NS),
    compiler_params=pltpu.CompilerParams(needs_layout_passes=False,
                                         use_tc_tiling_on_sc=True),
    scratch_types=[
        pltpu.VMEM((CH,), _f32),
        pltpu.VMEM((CH,), _u32),
        pltpu.VMEM((256,), _i32),
        pltpu.VMEM((16, 16), _i32),
        pltpu.VMEM((16, 16), _i32),
        pltpu.VMEM((4, 16), _f32),
        pltpu.VMEM((4, 16), _i32),
        pltpu.VMEM((4, 16), _f32),
        pltpu.VMEM((K,), _f32),
        pltpu.VMEM((K,), _i32),
        pltpu.VMEM((K * A,), _i32),
        pltpu.VMEM((K,), _i32),
        pltpu.VMEM((K * A, 128), _f32),
        pltpu.VMEM((16,), _f32),
        pltpu.VMEM((80,), _f32),
        pltpu.VMEM((128,), _f32),
        pltpu.VMEM((NS, 256), _i32),
        pltpu.VMEM_SHARED((NS, 256), _i32),
        pltpu.SemaphoreType.DMA,
    ],
)(_body)


def kernel(value, actions, mean, k):
    del k
    v = value[:, 0]
    vpad = jnp.concatenate([v, jnp.full((NPAD - N,), -jnp.inf, _f32)])
    actf = (jnp.pad(actions, ((0, 0), (0, 96), (0, 0)))
            .reshape(H, 782, 128, A)
            .transpose(0, 1, 3, 2)
            .reshape(H * 782 * A, 128))
    meanp = jnp.pad(mean.reshape(H * A), (0, 80 - H * A))
    return _sc_call(vpad, actf, meanp)[:, :A]

# --- scband reference (transcript-rebuilt; emitter-appended) ---
"""Pipeline reference for scband-told-41824391528924 (READ-ONLY COPY).

The authoritative reference and input builder live on the scoring server;
editing this copy changes nothing except your own understanding.
"""

import jax, jax.numpy as jnp
import numpy as np

HORIZON = 18
ACTION_DIM = 4
N_SAMPLES = 100000
TEMPERATURE = 1.0
MOMENTUM = 0.1
K = 64


def setup_inputs(seed: int = 0) -> dict:
    key = jax.random.key(seed)
    k1, k2, k3 = jax.random.split(key, 3)
    return {
        "value": jax.random.normal(k1, (N_SAMPLES, 1), dtype=jnp.float32),
        "actions": jax.random.normal(k2, (HORIZON, N_SAMPLES, ACTION_DIM), dtype=jnp.float32),
        "mean": jax.random.normal(k3, (HORIZON, ACTION_DIM), dtype=jnp.float32),
        "k": 64,
    }


def reference(value, actions, mean, k):
    # Core MPPI/CEM elite-selection step from TOLD.plan (one iteration):
    # top-k over trajectory values, gather elite actions, softmax-weighted
    # mean/std update with momentum.
    _, elite_idxs = jax.lax.top_k(value.squeeze(1), K)          # [k]
    elite_idxs = elite_idxs + (jnp.asarray(k, dtype=elite_idxs.dtype) - K)
    elite_value = value[elite_idxs]                              # [k, 1] (gather)
    elite_actions = actions[:, elite_idxs]                       # [H, k, A] (gather)
    max_value = jnp.max(elite_value, axis=0)                     # [1]
    score = jnp.exp(TEMPERATURE * (elite_value - max_value))     # [k, 1]
    score = score / jnp.sum(score, axis=0)
    denom = jnp.sum(score, axis=0) + 1e-9                        # [1]
    _mean = jnp.sum(score[None, :, :] * elite_actions, axis=1) / denom            # [H, A]
    _std = jnp.sqrt(jnp.sum(score[None, :, :] * (elite_actions - _mean[:, None, :]) ** 2, axis=1) / denom)
    # Faithful replication of the original _std.clamp_(horizon, 2) (min > max -> saturates at max)
    _std = jnp.clip(_std, float(HORIZON), 2.0)
    mean_new = MOMENTUM * mean + (1.0 - MOMENTUM) * _mean
    return mean_new

if __name__ == "__main__":
    import jax
    _d = setup_inputs()
    print(jax.jit(kernel)(*tuple(_d.values())))

</pallas_src>

<mosaic_0001>
#map = affine_map<(d0, d1) -> (0)>
#map1 = affine_map<(d0, d1) -> (0, 0)>
module attributes {stable_mosaic.version = 14 : i64} {
  func.func @_body(%arg0: i32, %arg1: i32, %arg2: memref<100352xf32, #tpu.memory_space<hbm>>, %arg3: memref<56304x128xf32, #tpu.memory_space<hbm>>, %arg4: memref<80xf32, #tpu.memory_space<hbm>>, %arg5: memref<18x128xf32, #tpu.memory_space<hbm>>, %arg6: memref<6272xf32, #tpu.memory_space<vmem>>, %arg7: memref<6272xi32, #tpu.memory_space<vmem>>, %arg8: memref<256xi32, #tpu.memory_space<vmem>>, %arg9: memref<16x16xi32, #tpu.memory_space<vmem>>, %arg10: memref<16x16xi32, #tpu.memory_space<vmem>>, %arg11: memref<4x16xf32, #tpu.memory_space<vmem>>, %arg12: memref<4x16xi32, #tpu.memory_space<vmem>>, %arg13: memref<4x16xf32, #tpu.memory_space<vmem>>, %arg14: memref<64xf32, #tpu.memory_space<vmem>>, %arg15: memref<64xi32, #tpu.memory_space<vmem>>, %arg16: memref<256xi32, #tpu.memory_space<vmem>>, %arg17: memref<64xi32, #tpu.memory_space<vmem>>, %arg18: memref<256x128xf32, #tpu.memory_space<vmem>>, %arg19: memref<16xf32, #tpu.memory_space<vmem>>, %arg20: memref<80xf32, #tpu.memory_space<vmem>>, %arg21: memref<128xf32, #tpu.memory_space<vmem>>, %arg22: memref<16x256xi32, #tpu.memory_space<vmem>>, %arg23: memref<16x256xi32, #tpu.memory_space<vmem_shared>>, %arg24: memref<!tpu.dma_semaphore, #tpu.memory_space<semaphore_mem>>) attributes {dimension_semantics = [#tpu.dimension_semantics<core_parallel>, #tpu.dimension_semantics<subcore_parallel>], iteration_bounds = array<i64: 1, 16>, scalar_prefetch = 0 : i64, scratch_operands = 19 : i64, tpu.core_type = #tpu.core_type<sc_vector_subcore>, window_params = [{transform_indices = #map}, {transform_indices = #map1}, {transform_indices = #map}, {transform_indices = #map1}]} {
    %mul3A = arith.constant 6272 : i32
    %mul3A_0 = arith.muli %arg1, %mul3A : i32
    %iota3A = tpu.iota {dimensions = array<i32: 0>} : vector<16xi32>
    %broadcast_in_dim3A = arith.constant 1 : i32
    %broadcast_in_dim3A_1 = vector.broadcast %broadcast_in_dim3A : i32 to vector<16xi32>
    %broadcast_in_dim3A_2 = arith.constant 0 : i32
    %broadcast_in_dim3A_3 = vector.broadcast %broadcast_in_dim3A_2 : i32 to vector<16xi32>
    "tpu.region"() ({
      %run_scoped3A = tpu.sem_alloc : memref<!tpu.dma_semaphore, #tpu.memory_space<semaphore_mem>>
      %dma_start3A = tpu.memref_slice %arg2[%mul3A_0] : memref<100352xf32, #tpu.memory_space<hbm>> -> memref<6272xf32, #tpu.memory_space<hbm>>
      %dma_start3A_180 = tpu.memref_slice %arg2[%mul3A_0] : memref<100352xf32, #tpu.memory_space<hbm>> -> memref<6272xf32, #tpu.memory_space<hbm>>
      tpu.enqueue_dma source(%dma_start3A_180 : memref<6272xf32, #tpu.memory_space<hbm>>) target(%arg6 : memref<6272xf32, #tpu.memory_space<vmem>>) target_semaphore(%run_scoped3A : memref<!tpu.dma_semaphore, #tpu.memory_space<semaphore_mem>>)
      %dma_wait3A = tpu.memref_slice %arg2[%mul3A_0] : memref<100352xf32, #tpu.memory_space<hbm>> -> memref<6272xf32, #tpu.memory_space<hbm>>
      %dma_wait3A_181 = tpu.memref_slice %arg2[%mul3A_0] : memref<100352xf32, #tpu.memory_space<hbm>> -> memref<6272xf32, #tpu.memory_space<hbm>>
      tpu.wait_dma2 semaphore(%run_scoped3A : memref<!tpu.dma_semaphore, #tpu.memory_space<semaphore_mem>>) src(%dma_wait3A_181 : memref<6272xf32, #tpu.memory_space<hbm>>) dst(%arg6 : memref<6272xf32, #tpu.memory_space<vmem>>)
      tpu.yield
    }) : () -> ()
    "tpu.region"() ({
      %run_scoped3A = tpu.sem_alloc : memref<!tpu.dma_semaphore, #tpu.memory_space<semaphore_mem>>
      tpu.enqueue_dma source(%arg4 : memref<80xf32, #tpu.memory_space<hbm>>) target(%arg20 : memref<80xf32, #tpu.memory_space<vmem>>) target_semaphore(%run_scoped3A : memref<!tpu.dma_semaphore, #tpu.memory_space<semaphore_mem>>)
      tpu.wait_dma2 semaphore(%run_scoped3A : memref<!tpu.dma_semaphore, #tpu.memory_space<semaphore_mem>>) src(%arg4 : memref<80xf32, #tpu.memory_space<hbm>>) dst(%arg20 : memref<80xf32, #tpu.memory_space<vmem>>)
      tpu.yield
    }) : () -> ()
    %broadcast_in_dim3A_4 = arith.constant 0xFF800000 : f32
    %broadcast_in_dim3A_5 = vector.broadcast %broadcast_in_dim3A_4 : f32 to vector<16xf32>
    %scan3A = arith.constant 0 : i32
    %scan3A_6 = arith.constant 392 : i32
    %scan3A_7 = arith.addi %scan3A, %scan3A_6 : i32
    %scan3A_8 = arith.constant 1 : i32
    %scan3A_9 = scf.for %scan3A_180 = %scan3A to %scan3A_7 step %scan3A_8 iter_args(%scan3A_181 = %broadcast_in_dim3A_5) -> (vector<16xf32>)  : i32 {
      %mul3A_182 = arith.constant 16 : i32
      %mul3A_183 = arith.muli %scan3A_180, %mul3A_182 : i32
      %get3A = arith.index_cast %mul3A_183 : i32 to index
      %get3A_184 = tpu.vector_load %arg6[%get3A] {strides = array<i32>} : memref<6272xf32, #tpu.memory_space<vmem>>, vector<16xf32>,
      %bitcast3A_185 = vector.bitcast %get3A_184 : vector<16xf32> to vector<16xi32>
      %ge3A = arith.constant -2147483648 : i32
      %ge3A_186 = vector.broadcast %ge3A : i32 to vector<16xi32>
      %ge3A_187 = arith.cmpi uge, %bitcast3A_185, %ge3A_186 : vector<16xi32>
      %xor3A = arith.constant -1 : i32
      %xor3A_188 = vector.broadcast %xor3A : i32 to vector<16xi32>
      %xor3A_189 = arith.xori %bitcast3A_185, %xor3A_188 : vector<16xi32>
      %or3A = arith.constant -2147483648 : i32
      %or3A_190 = vector.broadcast %or3A : i32 to vector<16xi32>
      %or3A_191 = arith.ori %bitcast3A_185, %or3A_190 : vector<16xi32>
      %select_n3A_192 = arith.select %ge3A_187, %xor3A_189, %or3A_191 : vector<16xi1>, vector<16xi32>
      %mul3A_193 = arith.constant 16 : i32
      %mul3A_194 = arith.muli %scan3A_180, %mul3A_193 : i32
      %swap3A_195 = arith.index_cast %mul3A_194 : i32 to index
      %swap3A_196 = tpu.vector_load %arg7[%swap3A_195] {strides = array<i32>} : memref<6272xi32, #tpu.memory_space<vmem>>, vector<16xi32>,
      tpu.vector_store %arg7[%swap3A_195], %select_n3A_192 {strides = array<i32>} : memref<6272xi32, #tpu.memory_space<vmem>>, vector<16xi32>,
      %max3A = arith.maximumf %scan3A_181, %get3A_184 : vector<16xf32>
      scf.yield %max3A : vector<16xf32>
    }
    %scan3A_10 = arith.constant 392 : i32
    %reduce_max3A = arith.constant true
    %reduce_max3A_11 = vector.broadcast %reduce_max3A : i1 to vector<16xi1>
    %reduce_max3A_12 = tpu.scan <max>, %scan3A_9 masked %reduce_max3A_11 : vector<16xf32>, vector<16xi1> -> vector<16xf32>
    %reduce_max3A_13 = vector.extract %reduce_max3A_12[15] : f32 from vector<16xf32>
    %scan3A_14 = arith.constant 0 : i32
    %scan3A_15 = arith.constant 0 : i32
    %scan3A_16 = arith.constant 64 : i32
    %scan3A_17 = arith.constant 0 : i32
    %scan3A_18 = arith.constant 4 : i32
    %scan3A_19 = arith.addi %scan3A_17, %scan3A_18 : i32
    %scan3A_20 = arith.constant 1 : i32
    %scan3A_21:3 = scf.for %scan3A_180 = %scan3A_17 to %scan3A_19 step %scan3A_20 iter_args(%scan3A_181 = %scan3A_14, %scan3A_182 = %scan3A_15, %scan3A_183 = %scan3A_16) -> (i32, i32, i32)  : i32 {
      %mul3A_184 = arith.constant 8 : i32
      %mul3A_185 = arith.muli %mul3A_184, %scan3A_180 : i32
      %sub3A_186 = arith.constant 24 : i32
      %sub3A_187 = arith.subi %sub3A_186, %mul3A_185 : i32
      %scan3A_188 = arith.constant 0 : i32
      %scan3A_189 = arith.constant 0 : i32
      %scan3A_190 = arith.constant 16 : i32
      %scan3A_191 = arith.addi %scan3A_189, %scan3A_190 : i32
      %scan3A_192 = arith.constant 1 : i32
      scf.for %scan3A_248 = %scan3A_189 to %scan3A_191 step %scan3A_192  : i32 {
        %mul3A_249 = arith.constant 16 : i32
        %mul3A_250 = arith.muli %scan3A_248, %mul3A_249 : i32
        %swap3A_251 = arith.index_cast %mul3A_250 : i32 to index
        %swap3A_252 = tpu.vector_load %arg8[%swap3A_251] {strides = array<i32>} : memref<256xi32, #tpu.memory_space<vmem>>, vector<16xi32>,
        tpu.vector_store %arg8[%swap3A_251], %broadcast_in_dim3A_3 {strides = array<i32>} : memref<256xi32, #tpu.memory_space<vmem>>, vector<16xi32>,
      }
      %scan3A_193 = arith.constant 16 : i32
      %scan3A_194 = arith.constant 0 : i32
      %scan3A_195 = arith.constant 0 : i32
      %scan3A_196 = arith.constant 392 : i32
      %scan3A_197 = arith.addi %scan3A_195, %scan3A_196 : i32
      %scan3A_198 = arith.constant 1 : i32
      scf.for %scan3A_248 = %scan3A_195 to %scan3A_197 step %scan3A_198  : i32 {
        %mul3A_249 = arith.constant 16 : i32
        %mul3A_250 = arith.muli %scan3A_248, %mul3A_249 : i32
        %get3A = arith.index_cast %mul3A_250 : i32 to index
        %get3A_251 = tpu.vector_load %arg7[%get3A] {strides = array<i32>} : memref<6272xi32, #tpu.memory_space<vmem>>, vector<16xi32>,
        %and3A_252 = vector.broadcast %scan3A_182 : i32 to vector<16xi32>
        %and3A_253 = arith.andi %get3A_251, %and3A_252 : vector<16xi32>
        %eq3A_254 = vector.broadcast %scan3A_181 : i32 to vector<16xi32>
        %eq3A_255 = arith.cmpi eq, %and3A_253, %eq3A_254 : vector<16xi32>
        %shift_right_logical3A = vector.broadcast %sub3A_187 : i32 to vector<16xi32>
        %shift_right_logical3A_256 = arith.shrui %get3A_251, %shift_right_logical3A : vector<16xi32>
        %and3A_257 = arith.constant 255 : i32
        %and3A_258 = vector.broadcast %and3A_257 : i32 to vector<16xi32>
        %and3A_259 = arith.andi %shift_right_logical3A_256, %and3A_258 : vector<16xi32>
        tpu.vector_store_idx %arg8[%and3A_259], %broadcast_in_dim3A_1 masked %eq3A_255 {add = true} : memref<256xi32, #tpu.memory_space<vmem>>[vector<16xi32>], vector<16xi32>, vector<16xi1>
      }
      %scan3A_199 = arith.constant 392 : i32
      "tpu.region"() ({
        %run_scoped3A = tpu.sem_alloc : memref<!tpu.dma_semaphore, #tpu.memory_space<semaphore_mem>>
        %dma_start3A = arith.constant 0 : i32
        %dma_start3A_248 = tpu.memref_slice %arg23[%arg1, %dma_start3A] : memref<16x256xi32, #tpu.memory_space<vmem_shared>> -> memref<1x256xi32, #tpu.memory_space<vmem_shared>>
        %dma_start3A_249 = tpu.memref_squeeze %dma_start3A_248 : memref<1x256xi32, #tpu.memory_space<vmem_shared>> -> memref<256xi32, #tpu.memory_space<vmem_shared>>
        %dma_start3A_250 = arith.constant 0 : i32
        %dma_start3A_251 = tpu.memref_slice %arg23[%arg1, %dma_start3A_250] : memref<16x256xi32, #tpu.memory_space<vmem_shared>> -> memref<1x256xi32, #tpu.memory_space<vmem_shared>>
        %dma_start3A_252 = tpu.memref_squeeze %dma_start3A_251 : memref<1x256xi32, #tpu.memory_space<vmem_shared>> -> memref<256xi32, #tpu.memory_space<vmem_shared>>
        tpu.enqueue_dma source(%arg8 : memref<256xi32, #tpu.memory_space<vmem>>) target(%dma_start3A_252 : memref<256xi32, #tpu.memory_space<vmem_shared>>) target_semaphore(%run_scoped3A : memref<!tpu.dma_semaphore, #tpu.memory_space<semaphore_mem>>)
        %dma_wait3A = arith.constant 0 : i32
        %dma_wait3A_253 = tpu.memref_slice %arg23[%arg1, %dma_wait3A] : memref<16x256xi32, #tpu.memory_space<vmem_shared>> -> memref<1x256xi32, #tpu.memory_space<vmem_shared>>
        %dma_wait3A_254 = tpu.memref_squeeze %dma_wait3A_253 : memref<1x256xi32, #tpu.memory_space<vmem_shared>> -> memref<256xi32, #tpu.memory_space<vmem_shared>>
        %dma_wait3A_255 = arith.constant 0 : i32
        %dma_wait3A_256 = tpu.memref_slice %arg23[%arg1, %dma_wait3A_255] : memref<16x256xi32, #tpu.memory_space<vmem_shared>> -> memref<1x256xi32, #tpu.memory_space<vmem_shared>>
        %dma_wait3A_257 = tpu.memref_squeeze %dma_wait3A_256 : memref<1x256xi32, #tpu.memory_space<vmem_shared>> -> memref<256xi32, #tpu.memory_space<vmem_shared>>
        tpu.wait_dma2 semaphore(%run_scoped3A : memref<!tpu.dma_semaphore, #tpu.memory_space<semaphore_mem>>) src(%arg8 : memref<256xi32, #tpu.memory_space<vmem>>) dst(%dma_wait3A_257 : memref<256xi32, #tpu.memory_space<vmem_shared>>)
        tpu.yield
      }) : () -> ()
      %barrier3A_200 = arith.constant 0 : index
      tpu.barrier barrier_id(%barrier3A_200)
      "tpu.region"() ({
        %run_scoped3A = tpu.sem_alloc : memref<!tpu.dma_semaphore, #tpu.memory_space<semaphore_mem>>
        tpu.enqueue_dma source(%arg23 : memref<16x256xi32, #tpu.memory_space<vmem_shared>>) target(%arg22 : memref<16x256xi32, #tpu.memory_space<vmem>>) target_semaphore(%run_scoped3A : memref<!tpu.dma_semaphore, #tpu.memory_space<semaphore_mem>>)
        tpu.wait_dma2 semaphore(%run_scoped3A : memref<!tpu.dma_semaphore, #tpu.memory_space<semaphore_mem>>) src(%arg23 : memref<16x256xi32, #tpu.memory_space<vmem_shared>>) dst(%arg22 : memref<16x256xi32, #tpu.memory_space<vmem>>)
        tpu.yield
      }) : () -> ()
      %scan3A_201 = arith.constant 0 : i32
      %scan3A_202 = arith.constant 0 : i32
      %scan3A_203 = arith.constant 16 : i32
      %scan3A_204 = arith.addi %scan3A_202, %scan3A_203 : i32
      %scan3A_205 = arith.constant 1 : i32
      %scan3A_206:2 = scf.for %scan3A_248 = %scan3A_202 to %scan3A_204 step %scan3A_205 iter_args(%scan3A_249 = %scan3A_201, %scan3A_250 = %broadcast_in_dim3A_3) -> (i32, vector<16xi32>)  : i32 {
        %sub3A_251 = arith.constant 15 : i32
        %sub3A_252 = arith.subi %sub3A_251, %scan3A_248 : i32
        %scan3A_253 = arith.constant 0 : i32
        %scan3A_254 = arith.constant 16 : i32
        %scan3A_255 = arith.addi %scan3A_253, %scan3A_254 : i32
        %scan3A_256 = arith.constant 1 : i32
        %scan3A_257 = scf.for %scan3A_286 = %scan3A_253 to %scan3A_255 step %scan3A_256 iter_args(%scan3A_287 = %broadcast_in_dim3A_3) -> (vector<16xi32>)  : i32 {
          %mul3A_288 = arith.constant 16 : i32
          %mul3A_289 = arith.muli %sub3A_252, %mul3A_288 : i32
          %get3A = arith.index_cast %scan3A_286 : i32 to index
          %get3A_290 = arith.index_cast %mul3A_289 : i32 to index
          %get3A_291 = tpu.vector_load %arg22[%get3A, %get3A_290] {strides = array<i32>} : memref<16x256xi32, #tpu.memory_space<vmem>>, vector<16xi32>,
          %add3A_292 = arith.addi %scan3A_287, %get3A_291 : vector<16xi32>
          scf.yield %add3A_292 : vector<16xi32>
        }
        %scan3A_258 = arith.constant 16 : i32
        %swap3A_259 = arith.index_cast %sub3A_252 : i32 to index
        %swap3A_260 = arith.constant 0 : index
        %swap3A_261 = tpu.vector_load %arg9[%swap3A_259, %swap3A_260] {strides = array<i32>} : memref<16x16xi32, #tpu.memory_space<vmem>>, vector<16xi32>,
        tpu.vector_store %arg9[%swap3A_259, %swap3A_260], %scan3A_257 {strides = array<i32>} : memref<16x16xi32, #tpu.memory_space<vmem>>, vector<16xi32>,
        %rev3A = arith.constant 15 : i32
        %rev3A_262 = vector.broadcast %rev3A : i32 to vector<16xi32>
        %rev3A_263 = tpu.iota {dimensions = array<i32: 0>} : vector<16xi32>
        %rev3A_264 = arith.subi %rev3A_262, %rev3A_263 : vector<16xi32>
        %rev3A_265 = tpu.dynamic_gather %scan3A_257[%rev3A_264] in [0] : vector<16xi32>, vector<16xi32> -> vector<16xi32>
        %broadcast_in_dim3A_266 = arith.constant true
        %broadcast_in_dim3A_267 = vector.broadcast %broadcast_in_dim3A_266 : i1 to vector<16xi1>
        %masked_cumsum3A_268 = tpu.scan <sum>, %rev3A_265 masked %broadcast_in_dim3A_267 : vector<16xi32>, vector<16xi1> -> vector<16xi32>
        %rev3A_269 = arith.constant 15 : i32
        %rev3A_270 = vector.broadcast %rev3A_269 : i32 to vector<16xi32>
        %rev3A_271 = tpu.iota {dimensions = array<i32: 0>} : vector<16xi32>
        %rev3A_272 = arith.subi %rev3A_270, %rev3A_271 : vector<16xi32>
        %rev3A_273 = tpu.dynamic_gather %masked_cumsum3A_268[%rev3A_272] in [0] : vector<16xi32>, vector<16xi32> -> vector<16xi32>
        %add3A_274 = vector.broadcast %scan3A_249 : i32 to vector<16xi32>
        %add3A_275 = arith.addi %rev3A_273, %add3A_274 : vector<16xi32>
        %swap3A_276 = arith.index_cast %sub3A_252 : i32 to index
        %swap3A_277 = arith.constant 0 : index
        %swap3A_278 = tpu.vector_load %arg10[%swap3A_276, %swap3A_277] {strides = array<i32>} : memref<16x16xi32, #tpu.memory_space<vmem>>, vector<16xi32>,
        tpu.vector_store %arg10[%swap3A_276, %swap3A_277], %add3A_275 {strides = array<i32>} : memref<16x16xi32, #tpu.memory_space<vmem>>, vector<16xi32>,
        %ge3A = vector.broadcast %scan3A_183 : i32 to vector<16xi32>
        %ge3A_279 = arith.cmpi sge, %add3A_275, %ge3A : vector<16xi32>
        %all_reduce_population_count3A = tpu.all_reduce %ge3A_279 {dim = 0 : i64, kind = #tpu.reduction_kind<sum>} : vector<16xi1> -> vector<16xi32>
        %add3A_280 = arith.addi %scan3A_250, %all_reduce_population_count3A : vector<16xi32>
        %reduce_sum3A_281 = arith.constant true
        %reduce_sum3A_282 = vector.broadcast %reduce_sum3A_281 : i1 to vector<16xi1>
        %reduce_sum3A_283 = tpu.scan <sum>, %scan3A_257 masked %reduce_sum3A_282 : vector<16xi32>, vector<16xi1> -> vector<16xi32>
        %reduce_sum3A_284 = vector.extract %reduce_sum3A_283[15] : i32 from vector<16xi32>
        %add3A_285 = arith.addi %scan3A_249, %reduce_sum3A_284 : i32
        scf.yield %add3A_285, %add3A_280 : i32, vector<16xi32>
      }
      %scan3A_207 = arith.constant 16 : i32
      %reduce_max3A_208 = arith.constant true
      %reduce_max3A_209 = vector.broadcast %reduce_max3A_208 : i1 to vector<16xi1>
      %reduce_max3A_210 = arith.constant -2147483648 : i32
      %reduce_max3A_211 = vector.broadcast %reduce_max3A_210 : i32 to vector<16xi32>
      %reduce_max3A_212 = arith.xori %scan3A_206#1, %reduce_max3A_211 : vector<16xi32>
      %reduce_max3A_213 = tpu.scan <max>, %reduce_max3A_212 masked %reduce_max3A_209 : vector<16xi32>, vector<16xi1> -> vector<16xi32>
      %reduce_max3A_214 = arith.xori %reduce_max3A_213, %reduce_max3A_211 : vector<16xi32>
      %reduce_max3A_215 = vector.extract %reduce_max3A_214[15] : i32 from vector<16xi32>
      %sub3A_216 = arith.constant 1 : i32
      %sub3A_217 = arith.subi %reduce_max3A_215, %sub3A_216 : i32
      %shift_right_arithmetic3A_218 = arith.constant 4 : i32
      %shift_right_arithmetic3A_219 = arith.shrsi %sub3A_217, %shift_right_arithmetic3A_218 : i32
      %broadcast_in_dim3A_220 = vector.broadcast %shift_right_arithmetic3A_219 : i32 to vector<16xi32>
      %and3A_221 = arith.constant 15 : i32
      %and3A_222 = arith.andi %sub3A_217, %and3A_221 : i32
      %broadcast_in_dim3A_223 = vector.broadcast %and3A_222 : i32 to vector<16xi32>
      %gather3A_224 = tpu.vector_load_idx %arg10[%broadcast_in_dim3A_220, %broadcast_in_dim3A_223] : memref<16x16xi32, #tpu.memory_space<vmem>>[vector<16xi32>, vector<16xi32>], vector<16xi32>,
      %reduce_max3A_225 = arith.constant true
      %reduce_max3A_226 = vector.broadcast %reduce_max3A_225 : i1 to vector<16xi1>
      %reduce_max3A_227 = arith.constant -2147483648 : i32
      %reduce_max3A_228 = vector.broadcast %reduce_max3A_227 : i32 to vector<16xi32>
      %reduce_max3A_229 = arith.xori %gather3A_224, %reduce_max3A_228 : vector<16xi32>
      %reduce_max3A_230 = tpu.scan <max>, %reduce_max3A_229 masked %reduce_max3A_226 : vector<16xi32>, vector<16xi1> -> vector<16xi32>
      %reduce_max3A_231 = arith.xori %reduce_max3A_230, %reduce_max3A_228 : vector<16xi32>
      %reduce_max3A_232 = vector.extract %reduce_max3A_231[15] : i32 from vector<16xi32>
      %gather3A_233 = tpu.vector_load_idx %arg9[%broadcast_in_dim3A_220, %broadcast_in_dim3A_223] : memref<16x16xi32, #tpu.memory_space<vmem>>[vector<16xi32>, vector<16xi32>], vector<16xi32>,
      %reduce_max3A_234 = arith.constant true
      %reduce_max3A_235 = vector.broadcast %reduce_max3A_234 : i1 to vector<16xi1>
      %reduce_max3A_236 = arith.constant -2147483648 : i32
      %reduce_max3A_237 = vector.broadcast %reduce_max3A_236 : i32 to vector<16xi32>
      %reduce_max3A_238 = arith.xori %gather3A_233, %reduce_max3A_237 : vector<16xi32>
      %reduce_max3A_239 = tpu.scan <max>, %reduce_max3A_238 masked %reduce_max3A_235 : vector<16xi32>, vector<16xi1> -> vector<16xi32>
      %reduce_max3A_240 = arith.xori %reduce_max3A_239, %reduce_max3A_237 : vector<16xi32>
      %reduce_max3A_241 = vector.extract %reduce_max3A_240[15] : i32 from vector<16xi32>
      %sub3A_242 = arith.subi %reduce_max3A_232, %reduce_max3A_241 : i32
      %sub3A_243 = arith.subi %scan3A_183, %sub3A_242 : i32
      %shift_left3A = arith.shli %sub3A_217, %sub3A_187 : i32
      %or3A = arith.ori %scan3A_181, %shift_left3A : i32
      %shift_left3A_244 = arith.constant 255 : i32
      %shift_left3A_245 = arith.shli %shift_left3A_244, %sub3A_187 : i32
      %or3A_246 = arith.ori %scan3A_182, %shift_left3A_245 : i32
      %barrier3A_247 = arith.constant 0 : index
      tpu.barrier barrier_id(%barrier3A_247)
      scf.yield %or3A, %or3A_246, %sub3A_243 : i32, i32, i32
    }
    %scan3A_22 = arith.constant 4 : i32
    %scan3A_23 = arith.constant 0 : i32
    %scan3A_24 = arith.constant 392 : i32
    %scan3A_25 = arith.addi %scan3A_23, %scan3A_24 : i32
    %scan3A_26 = arith.constant 1 : i32
    %scan3A_27:2 = scf.for %scan3A_180 = %scan3A_23 to %scan3A_25 step %scan3A_26 iter_args(%scan3A_181 = %broadcast_in_dim3A_3, %scan3A_182 = %broadcast_in_dim3A_3) -> (vector<16xi32>, vector<16xi32>)  : i32 {
      %mul3A_183 = arith.constant 16 : i32
      %mul3A_184 = arith.muli %scan3A_180, %mul3A_183 : i32
      %get3A = arith.index_cast %mul3A_184 : i32 to index
      %get3A_185 = tpu.vector_load %arg7[%get3A] {strides = array<i32>} : memref<6272xi32, #tpu.memory_space<vmem>>, vector<16xi32>,
      %gt3A = vector.broadcast %scan3A_21#0 : i32 to vector<16xi32>
      %gt3A_186 = arith.cmpi ugt, %get3A_185, %gt3A : vector<16xi32>
      %jit3A_187 = arith.constant 1 : i32
      %jit3A_188 = arith.constant 0 : i32
      %broadcast_in_dim3A_189 = vector.broadcast %jit3A_187 : i32 to vector<16xi32>
      %broadcast_in_dim3A_190 = vector.broadcast %jit3A_188 : i32 to vector<16xi32>
      %select_n3A_191 = arith.select %gt3A_186, %broadcast_in_dim3A_189, %broadcast_in_dim3A_190 : vector<16xi1>, vector<16xi32>
      %add3A_192 = arith.addi %scan3A_181, %select_n3A_191 : vector<16xi32>
      %eq3A_193 = vector.broadcast %scan3A_21#0 : i32 to vector<16xi32>
      %eq3A_194 = arith.cmpi eq, %get3A_185, %eq3A_193 : vector<16xi32>
      %jit3A_195 = arith.constant 1 : i32
      %jit3A_196 = arith.constant 0 : i32
      %broadcast_in_dim3A_197 = vector.broadcast %jit3A_195 : i32 to vector<16xi32>
      %broadcast_in_dim3A_198 = vector.broadcast %jit3A_196 : i32 to vector<16xi32>
      %select_n3A_199 = arith.select %eq3A_194, %broadcast_in_dim3A_197, %broadcast_in_dim3A_198 : vector<16xi1>, vector<16xi32>
      %add3A_200 = arith.addi %scan3A_182, %select_n3A_199 : vector<16xi32>
      scf.yield %add3A_192, %add3A_200 : vector<16xi32>, vector<16xi32>
    }
    %scan3A_28 = arith.constant 392 : i32
    %reduce_sum3A = arith.constant true
    %reduce_sum3A_29 = vector.broadcast %reduce_sum3A : i1 to vector<16xi1>
    %reduce_sum3A_30 = tpu.scan <sum>, %scan3A_27#0 masked %reduce_sum3A_29 : vector<16xi32>, vector<16xi1> -> vector<16xi32>
    %reduce_sum3A_31 = vector.extract %reduce_sum3A_30[15] : i32 from vector<16xi32>
    %reduce_sum3A_32 = arith.constant true
    %reduce_sum3A_33 = vector.broadcast %reduce_sum3A_32 : i1 to vector<16xi1>
    %reduce_sum3A_34 = tpu.scan <sum>, %scan3A_27#1 masked %reduce_sum3A_33 : vector<16xi32>, vector<16xi1> -> vector<16xi32>
    %reduce_sum3A_35 = vector.extract %reduce_sum3A_34[15] : i32 from vector<16xi32>
    %bitcast_convert_type3A = arith.bitcast %reduce_max3A_13 : f32 to i32
    %eq3A = arith.constant 0 : i32
    %eq3A_36 = vector.broadcast %eq3A : i32 to vector<16xi32>
    %eq3A_37 = arith.cmpi eq, %iota3A, %eq3A_36 : vector<16xi32>
    %jit3A = arith.constant 0 : i32
    %broadcast_in_dim3A_38 = vector.broadcast %reduce_sum3A_31 : i32 to vector<16xi32>
    %broadcast_in_dim3A_39 = vector.broadcast %jit3A : i32 to vector<16xi32>
    %select_n3A = arith.select %eq3A_37, %broadcast_in_dim3A_38, %broadcast_in_dim3A_39 : vector<16xi1>, vector<16xi32>
    %eq3A_40 = arith.constant 1 : i32
    %eq3A_41 = vector.broadcast %eq3A_40 : i32 to vector<16xi32>
    %eq3A_42 = arith.cmpi eq, %iota3A, %eq3A_41 : vector<16xi32>
    %jit3A_43 = arith.constant 0 : i32
    %broadcast_in_dim3A_44 = vector.broadcast %reduce_sum3A_35 : i32 to vector<16xi32>
    %broadcast_in_dim3A_45 = vector.broadcast %jit3A_43 : i32 to vector<16xi32>
    %select_n3A_46 = arith.select %eq3A_42, %broadcast_in_dim3A_44, %broadcast_in_dim3A_45 : vector<16xi1>, vector<16xi32>
    %add3A = arith.addi %select_n3A, %select_n3A_46 : vector<16xi32>
    %eq3A_47 = arith.constant 2 : i32
    %eq3A_48 = vector.broadcast %eq3A_47 : i32 to vector<16xi32>
    %eq3A_49 = arith.cmpi eq, %iota3A, %eq3A_48 : vector<16xi32>
    %jit3A_50 = arith.constant 0 : i32
    %broadcast_in_dim3A_51 = vector.broadcast %bitcast_convert_type3A : i32 to vector<16xi32>
    %broadcast_in_dim3A_52 = vector.broadcast %jit3A_50 : i32 to vector<16xi32>
    %select_n3A_53 = arith.select %eq3A_49, %broadcast_in_dim3A_51, %broadcast_in_dim3A_52 : vector<16xi1>, vector<16xi32>
    %add3A_54 = arith.addi %add3A, %select_n3A_53 : vector<16xi32>
    %swap3A = arith.constant 0 : index
    %swap3A_55 = tpu.vector_load %arg8[%swap3A] {strides = array<i32>} : memref<256xi32, #tpu.memory_space<vmem>>, vector<16xi32>,
    tpu.vector_store %arg8[%swap3A], %add3A_54 {strides = array<i32>} : memref<256xi32, #tpu.memory_space<vmem>>, vector<16xi32>,
    "tpu.region"() ({
      %run_scoped3A = tpu.sem_alloc : memref<!tpu.dma_semaphore, #tpu.memory_space<semaphore_mem>>
      %dma_start3A = arith.constant 0 : i32
      %dma_start3A_180 = tpu.memref_slice %arg23[%arg1, %dma_start3A] : memref<16x256xi32, #tpu.memory_space<vmem_shared>> -> memref<1x256xi32, #tpu.memory_space<vmem_shared>>
      %dma_start3A_181 = tpu.memref_squeeze %dma_start3A_180 : memref<1x256xi32, #tpu.memory_space<vmem_shared>> -> memref<256xi32, #tpu.memory_space<vmem_shared>>
      %dma_start3A_182 = arith.constant 0 : i32
      %dma_start3A_183 = tpu.memref_slice %arg23[%arg1, %dma_start3A_182] : memref<16x256xi32, #tpu.memory_space<vmem_shared>> -> memref<1x256xi32, #tpu.memory_space<vmem_shared>>
      %dma_start3A_184 = tpu.memref_squeeze %dma_start3A_183 : memref<1x256xi32, #tpu.memory_space<vmem_shared>> -> memref<256xi32, #tpu.memory_space<vmem_shared>>
      tpu.enqueue_dma source(%arg8 : memref<256xi32, #tpu.memory_space<vmem>>) target(%dma_start3A_184 : memref<256xi32, #tpu.memory_space<vmem_shared>>) target_semaphore(%run_scoped3A : memref<!tpu.dma_semaphore, #tpu.memory_space<semaphore_mem>>)
      %dma_wait3A = arith.constant 0 : i32
      %dma_wait3A_185 = tpu.memref_slice %arg23[%arg1, %dma_wait3A] : memref<16x256xi32, #tpu.memory_space<vmem_shared>> -> memref<1x256xi32, #tpu.memory_space<vmem_shared>>
      %dma_wait3A_186 = tpu.memref_squeeze %dma_wait3A_185 : memref<1x256xi32, #tpu.memory_space<vmem_shared>> -> memref<256xi32, #tpu.memory_space<vmem_shared>>
      %dma_wait3A_187 = arith.constant 0 : i32
      %dma_wait3A_188 = tpu.memref_slice %arg23[%arg1, %dma_wait3A_187] : memref<16x256xi32, #tpu.memory_space<vmem_shared>> -> memref<1x256xi32, #tpu.memory_space<vmem_shared>>
      %dma_wait3A_189 = tpu.memref_squeeze %dma_wait3A_188 : memref<1x256xi32, #tpu.memory_space<vmem_shared>> -> memref<256xi32, #tpu.memory_space<vmem_shared>>
      tpu.wait_dma2 semaphore(%run_scoped3A : memref<!tpu.dma_semaphore, #tpu.memory_space<semaphore_mem>>) src(%arg8 : memref<256xi32, #tpu.memory_space<vmem>>) dst(%dma_wait3A_189 : memref<256xi32, #tpu.memory_space<vmem_shared>>)
      tpu.yield
    }) : () -> ()
    %scan3A_56 = arith.constant 0 : i32
    %scan3A_57 = arith.constant 0 : i32
    %scan3A_58 = arith.constant 4 : i32
    %scan3A_59 = arith.addi %scan3A_57, %scan3A_58 : i32
    %scan3A_60 = arith.constant 1 : i32
    scf.for %scan3A_180 = %scan3A_57 to %scan3A_59 step %scan3A_60  : i32 {
      %broadcast_in_dim3A_181 = arith.constant 0.000000e+00 : f32
      %broadcast_in_dim3A_182 = vector.broadcast %broadcast_in_dim3A_181 : f32 to vector<16xf32>
      %mul3A_183 = arith.constant 16 : i32
      %mul3A_184 = arith.muli %scan3A_180, %mul3A_183 : i32
      %swap3A_185 = arith.index_cast %mul3A_184 : i32 to index
      %swap3A_186 = tpu.vector_load %arg14[%swap3A_185] {strides = array<i32>} : memref<64xf32, #tpu.memory_space<vmem>>, vector<16xf32>,
      tpu.vector_store %arg14[%swap3A_185], %broadcast_in_dim3A_182 {strides = array<i32>} : memref<64xf32, #tpu.memory_space<vmem>>, vector<16xf32>,
      %mul3A_187 = arith.constant 16 : i32
      %mul3A_188 = arith.muli %scan3A_180, %mul3A_187 : i32
      %swap3A_189 = arith.index_cast %mul3A_188 : i32 to index
      %swap3A_190 = tpu.vector_load %arg15[%swap3A_189] {strides = array<i32>} : memref<64xi32, #tpu.memory_space<vmem>>, vector<16xi32>,
      tpu.vector_store %arg15[%swap3A_189], %broadcast_in_dim3A_3 {strides = array<i32>} : memref<64xi32, #tpu.memory_space<vmem>>, vector<16xi32>,
    }
    %scan3A_61 = arith.constant 4 : i32
    %barrier3A = arith.constant 0 : index
    tpu.barrier barrier_id(%barrier3A)
    "tpu.region"() ({
      %run_scoped3A = tpu.sem_alloc : memref<!tpu.dma_semaphore, #tpu.memory_space<semaphore_mem>>
      tpu.enqueue_dma source(%arg23 : memref<16x256xi32, #tpu.memory_space<vmem_shared>>) target(%arg22 : memref<16x256xi32, #tpu.memory_space<vmem>>) target_semaphore(%run_scoped3A : memref<!tpu.dma_semaphore, #tpu.memory_space<semaphore_mem>>)
      tpu.wait_dma2 semaphore(%run_scoped3A : memref<!tpu.dma_semaphore, #tpu.memory_space<semaphore_mem>>) src(%arg23 : memref<16x256xi32, #tpu.memory_space<vmem_shared>>) dst(%arg22 : memref<16x256xi32, #tpu.memory_space<vmem>>)
      tpu.yield
    }) : () -> ()
    %gather3A = tpu.vector_load_idx %arg22[%iota3A, %broadcast_in_dim3A_3] : memref<16x256xi32, #tpu.memory_space<vmem>>[vector<16xi32>, vector<16xi32>], vector<16xi32>,
    %gather3A_62 = tpu.vector_load_idx %arg22[%iota3A, %broadcast_in_dim3A_1] : memref<16x256xi32, #tpu.memory_space<vmem>>[vector<16xi32>, vector<16xi32>], vector<16xi32>,
    %mul3A_63 = arith.constant 2 : i32
    %mul3A_64 = vector.broadcast %mul3A_63 : i32 to vector<16xi32>
    %mul3A_65 = arith.muli %broadcast_in_dim3A_1, %mul3A_64 : vector<16xi32>
    %gather3A_66 = tpu.vector_load_idx %arg22[%iota3A, %mul3A_65] : memref<16x256xi32, #tpu.memory_space<vmem>>[vector<16xi32>, vector<16xi32>], vector<16xi32>,
    %bitcast3A = vector.bitcast %gather3A_66 : vector<16xi32> to vector<16xf32>
    %reduce_max3A_67 = arith.constant true
    %reduce_max3A_68 = vector.broadcast %reduce_max3A_67 : i1 to vector<16xi1>
    %reduce_max3A_69 = tpu.scan <max>, %bitcast3A masked %reduce_max3A_68 : vector<16xf32>, vector<16xi1> -> vector<16xf32>
    %reduce_max3A_70 = vector.extract %reduce_max3A_69[15] : f32 from vector<16xf32>
    %broadcast_in_dim3A_71 = arith.constant true
    %broadcast_in_dim3A_72 = vector.broadcast %broadcast_in_dim3A_71 : i1 to vector<16xi1>
    %masked_cumsum3A = tpu.scan <sum>, %gather3A masked %broadcast_in_dim3A_72 : vector<16xi32>, vector<16xi1> -> vector<16xi32>
    %broadcast_in_dim3A_73 = arith.constant true
    %broadcast_in_dim3A_74 = vector.broadcast %broadcast_in_dim3A_73 : i1 to vector<16xi1>
    %masked_cumsum3A_75 = tpu.scan <sum>, %gather3A_62 masked %broadcast_in_dim3A_74 : vector<16xi32>, vector<16xi1> -> vector<16xi32>
    %iota3A_76 = tpu.iota {dimensions = array<i32: 0>} : vector<16xi32>
    %eq3A_77 = vector.broadcast %arg1 : i32 to vector<16xi32>
    %eq3A_78 = arith.cmpi eq, %iota3A_76, %eq3A_77 : vector<16xi32>
    %jit3A_79 = arith.constant 0 : i32
    %broadcast_in_dim3A_80 = vector.broadcast %jit3A_79 : i32 to vector<16xi32>
    %select_n3A_81 = arith.select %eq3A_78, %masked_cumsum3A, %broadcast_in_dim3A_80 : vector<16xi1>, vector<16xi32>
    %reduce_sum3A_82 = arith.constant true
    %reduce_sum3A_83 = vector.broadcast %reduce_sum3A_82 : i1 to vector<16xi1>
    %reduce_sum3A_84 = tpu.scan <sum>, %select_n3A_81 masked %reduce_sum3A_83 : vector<16xi32>, vector<16xi1> -> vector<16xi32>
    %reduce_sum3A_85 = vector.extract %reduce_sum3A_84[15] : i32 from vector<16xi32>
    %iota3A_86 = tpu.iota {dimensions = array<i32: 0>} : vector<16xi32>
    %eq3A_87 = vector.broadcast %arg1 : i32 to vector<16xi32>
    %eq3A_88 = arith.cmpi eq, %iota3A_86, %eq3A_87 : vector<16xi32>
    %jit3A_89 = arith.constant 0 : i32
    %broadcast_in_dim3A_90 = vector.broadcast %jit3A_89 : i32 to vector<16xi32>
    %select_n3A_91 = arith.select %eq3A_88, %gather3A, %broadcast_in_dim3A_90 : vector<16xi1>, vector<16xi32>
    %reduce_sum3A_92 = arith.constant true
    %reduce_sum3A_93 = vector.broadcast %reduce_sum3A_92 : i1 to vector<16xi1>
    %reduce_sum3A_94 = tpu.scan <sum>, %select_n3A_91 masked %reduce_sum3A_93 : vector<16xi32>, vector<16xi1> -> vector<16xi32>
    %reduce_sum3A_95 = vector.extract %reduce_sum3A_94[15] : i32 from vector<16xi32>
    %sub3A = arith.subi %reduce_sum3A_85, %reduce_sum3A_95 : i32
    %iota3A_96 = tpu.iota {dimensions = array<i32: 0>} : vector<16xi32>
    %eq3A_97 = vector.broadcast %arg1 : i32 to vector<16xi32>
    %eq3A_98 = arith.cmpi eq, %iota3A_96, %eq3A_97 : vector<16xi32>
    %jit3A_99 = arith.constant 0 : i32
    %broadcast_in_dim3A_100 = vector.broadcast %jit3A_99 : i32 to vector<16xi32>
    %select_n3A_101 = arith.select %eq3A_98, %masked_cumsum3A_75, %broadcast_in_dim3A_100 : vector<16xi1>, vector<16xi32>
    %reduce_sum3A_102 = arith.constant true
    %reduce_sum3A_103 = vector.broadcast %reduce_sum3A_102 : i1 to vector<16xi1>
    %reduce_sum3A_104 = tpu.scan <sum>, %select_n3A_101 masked %reduce_sum3A_103 : vector<16xi32>, vector<16xi1> -> vector<16xi32>
    %reduce_sum3A_105 = vector.extract %reduce_sum3A_104[15] : i32 from vector<16xi32>
    %iota3A_106 = tpu.iota {dimensions = array<i32: 0>} : vector<16xi32>
    %eq3A_107 = vector.broadcast %arg1 : i32 to vector<16xi32>
    %eq3A_108 = arith.cmpi eq, %iota3A_106, %eq3A_107 : vector<16xi32>
    %jit3A_109 = arith.constant 0 : i32
    %broadcast_in_dim3A_110 = vector.broadcast %jit3A_109 : i32 to vector<16xi32>
    %select_n3A_111 = arith.select %eq3A_108, %gather3A_62, %broadcast_in_dim3A_110 : vector<16xi1>, vector<16xi32>
    %reduce_sum3A_112 = arith.constant true
    %reduce_sum3A_113 = vector.broadcast %reduce_sum3A_112 : i1 to vector<16xi1>
    %reduce_sum3A_114 = tpu.scan <sum>, %select_n3A_111 masked %reduce_sum3A_113 : vector<16xi32>, vector<16xi1> -> vector<16xi32>
    %reduce_sum3A_115 = vector.extract %reduce_sum3A_114[15] : i32 from vector<16xi32>
    %sub3A_116 = arith.subi %reduce_sum3A_105, %reduce_sum3A_115 : i32
    %iota3A_117 = tpu.iota {dimensions = array<i32: 0>} : vector<16xi32>
    %eq3A_118 = arith.constant 15 : i32
    %eq3A_119 = vector.broadcast %eq3A_118 : i32 to vector<16xi32>
    %eq3A_120 = arith.cmpi eq, %iota3A_117, %eq3A_119 : vector<16xi32>
    %jit3A_121 = arith.constant 0 : i32
    %broadcast_in_dim3A_122 = vector.broadcast %jit3A_121 : i32 to vector<16xi32>
    %select_n3A_123 = arith.select %eq3A_120, %masked_cumsum3A, %broadcast_in_dim3A_122 : vector<16xi1>, vector<16xi32>
    %reduce_sum3A_124 = arith.constant true
    %reduce_sum3A_125 = vector.broadcast %reduce_sum3A_124 : i1 to vector<16xi1>
    %reduce_sum3A_126 = tpu.scan <sum>, %select_n3A_123 masked %reduce_sum3A_125 : vector<16xi32>, vector<16xi1> -> vector<16xi32>
    %reduce_sum3A_127 = vector.extract %reduce_sum3A_126[15] : i32 from vector<16xi32>
    %barrier3A_128 = arith.constant 0 : index
    tpu.barrier barrier_id(%barrier3A_128)
    %scan3A_129 = arith.constant 0 : i32
    %scan3A_130 = arith.constant 0 : i32
    %scan3A_131 = arith.constant 0 : i32
    %scan3A_132 = arith.constant 392 : i32
    %scan3A_133 = arith.addi %scan3A_131, %scan3A_132 : i32
    %scan3A_134 = arith.constant 1 : i32
    %scan3A_135:2 = scf.for %scan3A_180 = %scan3A_131 to %scan3A_133 step %scan3A_134 iter_args(%scan3A_181 = %scan3A_129, %scan3A_182 = %scan3A_130) -> (i32, i32)  : i32 {
      %mul3A_183 = arith.constant 16 : i32
      %mul3A_184 = arith.muli %scan3A_180, %mul3A_183 : i32
      %get3A = arith.index_cast %mul3A_184 : i32 to index
      %get3A_185 = tpu.vector_load %arg7[%get3A] {strides = array<i32>} : memref<6272xi32, #tpu.memory_space<vmem>>, vector<16xi32>,
      %mul3A_186 = arith.constant 16 : i32
      %mul3A_187 = arith.muli %scan3A_180, %mul3A_186 : i32
      %get3A_188 = arith.index_cast %mul3A_187 : i32 to index
      %get3A_189 = tpu.vector_load %arg6[%get3A_188] {strides = array<i32>} : memref<6272xf32, #tpu.memory_space<vmem>>, vector<16xf32>,
      %gt3A = vector.broadcast %scan3A_21#0 : i32 to vector<16xi32>
      %gt3A_190 = arith.cmpi ugt, %get3A_185, %gt3A : vector<16xi32>
      %eq3A_191 = vector.broadcast %scan3A_21#0 : i32 to vector<16xi32>
      %eq3A_192 = arith.cmpi eq, %get3A_185, %eq3A_191 : vector<16xi32>
      %jit3A_193 = arith.constant 1 : i32
      %jit3A_194 = arith.constant 0 : i32
      %broadcast_in_dim3A_195 = vector.broadcast %jit3A_193 : i32 to vector<16xi32>
      %broadcast_in_dim3A_196 = vector.broadcast %jit3A_194 : i32 to vector<16xi32>
      %select_n3A_197 = arith.select %gt3A_190, %broadcast_in_dim3A_195, %broadcast_in_dim3A_196 : vector<16xi1>, vector<16xi32>
      %jit3A_198 = arith.constant 1 : i32
      %jit3A_199 = arith.constant 0 : i32
      %broadcast_in_dim3A_200 = vector.broadcast %jit3A_198 : i32 to vector<16xi32>
      %broadcast_in_dim3A_201 = vector.broadcast %jit3A_199 : i32 to vector<16xi32>
      %select_n3A_202 = arith.select %eq3A_192, %broadcast_in_dim3A_200, %broadcast_in_dim3A_201 : vector<16xi1>, vector<16xi32>
      %broadcast_in_dim3A_203 = arith.constant true
      %broadcast_in_dim3A_204 = vector.broadcast %broadcast_in_dim3A_203 : i1 to vector<16xi1>
      %masked_cumsum3A_205 = tpu.scan <sum>, %select_n3A_197 masked %broadcast_in_dim3A_204 : vector<16xi32>, vector<16xi1> -> vector<16xi32>
      %add3A_206 = vector.broadcast %scan3A_181 : i32 to vector<16xi32>
      %add3A_207 = arith.addi %add3A_206, %masked_cumsum3A_205 : vector<16xi32>
      %sub3A_208 = arith.constant 1 : i32
      %sub3A_209 = vector.broadcast %sub3A_208 : i32 to vector<16xi32>
      %sub3A_210 = arith.subi %add3A_207, %sub3A_209 : vector<16xi32>
      %broadcast_in_dim3A_211 = arith.constant true
      %broadcast_in_dim3A_212 = vector.broadcast %broadcast_in_dim3A_211 : i1 to vector<16xi1>
      %masked_cumsum3A_213 = tpu.scan <sum>, %select_n3A_202 masked %broadcast_in_dim3A_212 : vector<16xi32>, vector<16xi1> -> vector<16xi32>
      %add3A_214 = vector.broadcast %scan3A_182 : i32 to vector<16xi32>
      %add3A_215 = arith.addi %add3A_214, %masked_cumsum3A_213 : vector<16xi32>
      %sub3A_216 = arith.constant 1 : i32
      %sub3A_217 = vector.broadcast %sub3A_216 : i32 to vector<16xi32>
      %sub3A_218 = arith.subi %add3A_215, %sub3A_217 : vector<16xi32>
      %add3A_219 = vector.broadcast %sub3A_116 : i32 to vector<16xi32>
      %add3A_220 = arith.addi %add3A_219, %sub3A_218 : vector<16xi32>
      %lt3A_221 = vector.broadcast %scan3A_21#2 : i32 to vector<16xi32>
      %lt3A_222 = arith.cmpi slt, %add3A_220, %lt3A_221 : vector<16xi32>
      %and3A_223 = arith.andi %eq3A_192, %lt3A_222 : vector<16xi1>
      %or3A = arith.ori %gt3A_190, %and3A_223 : vector<16xi1>
      %add3A_224 = vector.broadcast %sub3A : i32 to vector<16xi32>
      %add3A_225 = arith.addi %add3A_224, %sub3A_210 : vector<16xi32>
      %add3A_226 = arith.addi %reduce_sum3A_127, %sub3A_116 : i32
      %add3A_227 = vector.broadcast %add3A_226 : i32 to vector<16xi32>
      %add3A_228 = arith.addi %add3A_227, %sub3A_218 : vector<16xi32>
      %select_n3A_229 = arith.select %gt3A_190, %add3A_225, %add3A_228 : vector<16xi1>, vector<16xi32>
      %jit3A_230 = arith.constant 0 : i32
      %jit3A_231 = arith.constant 63 : i32
      %max3A = vector.broadcast %jit3A_230 : i32 to vector<16xi32>
      %max3A_232 = arith.maxsi %max3A, %select_n3A_229 : vector<16xi32>
      %min3A = vector.broadcast %jit3A_231 : i32 to vector<16xi32>
      %min3A_233 = arith.minsi %min3A, %max3A_232 : vector<16xi32>
      %mul3A_234 = arith.constant 16 : i32
      %mul3A_235 = arith.muli %scan3A_180, %mul3A_234 : i32
      %add3A_236 = arith.addi %mul3A_0, %mul3A_235 : i32
      %add3A_237 = vector.broadcast %add3A_236 : i32 to vector<16xi32>
      %add3A_238 = arith.addi %add3A_237, %iota3A : vector<16xi32>
      tpu.vector_store_idx %arg14[%min3A_233], %get3A_189 masked %or3A : memref<64xf32, #tpu.memory_space<vmem>>[vector<16xi32>], vector<16xf32>, vector<16xi1>
      tpu.vector_store_idx %arg15[%min3A_233], %add3A_238 masked %or3A : memref<64xi32, #tpu.memory_space<vmem>>[vector<16xi32>], vector<16xi32>, vector<16xi1>
      %reduce_sum3A_239 = arith.constant true
      %reduce_sum3A_240 = vector.broadcast %reduce_sum3A_239 : i1 to vector<16xi1>
      %reduce_sum3A_241 = tpu.scan <sum>, %select_n3A_197 masked %reduce_sum3A_240 : vector<16xi32>, vector<16xi1> -> vector<16xi32>
      %reduce_sum3A_242 = vector.extract %reduce_sum3A_241[15] : i32 from vector<16xi32>
      %add3A_243 = arith.addi %scan3A_181, %reduce_sum3A_242 : i32
      %reduce_sum3A_244 = arith.constant true
      %reduce_sum3A_245 = vector.broadcast %reduce_sum3A_244 : i1 to vector<16xi1>
      %reduce_sum3A_246 = tpu.scan <sum>, %select_n3A_202 masked %reduce_sum3A_245 : vector<16xi32>, vector<16xi1> -> vector<16xi32>
      %reduce_sum3A_247 = vector.extract %reduce_sum3A_246[15] : i32 from vector<16xi32>
      %add3A_248 = arith.addi %scan3A_182, %reduce_sum3A_247 : i32
      scf.yield %add3A_243, %add3A_248 : i32, i32
    }
    %scan3A_136 = arith.constant 392 : i32
    %scan3A_137 = arith.constant 0 : i32
    %scan3A_138 = arith.constant 0 : i32
    %scan3A_139 = arith.constant 4 : i32
    %scan3A_140 = arith.addi %scan3A_138, %scan3A_139 : i32
    %scan3A_141 = arith.constant 1 : i32
    scf.for %scan3A_180 = %scan3A_138 to %scan3A_140 step %scan3A_141  : i32 {
      %mul3A_181 = arith.constant 16 : i32
      %mul3A_182 = arith.muli %scan3A_180, %mul3A_181 : i32
      %get3A = arith.index_cast %mul3A_182 : i32 to index
      %get3A_183 = tpu.vector_load %arg14[%get3A] {strides = array<i32>} : memref<64xf32, #tpu.memory_space<vmem>>, vector<16xf32>,
      %bitcast3A_184 = vector.bitcast %get3A_183 : vector<16xf32> to vector<16xi32>
      %mul3A_185 = arith.constant 16 : i32
      %mul3A_186 = arith.muli %scan3A_180, %mul3A_185 : i32
      %swap3A_187 = arith.index_cast %mul3A_186 : i32 to index
      %swap3A_188 = tpu.vector_load %arg8[%swap3A_187] {strides = array<i32>} : memref<256xi32, #tpu.memory_space<vmem>>, vector<16xi32>,
      tpu.vector_store %arg8[%swap3A_187], %bitcast3A_184 {strides = array<i32>} : memref<256xi32, #tpu.memory_space<vmem>>, vector<16xi32>,
      %mul3A_189 = arith.constant 16 : i32
      %mul3A_190 = arith.muli %scan3A_180, %mul3A_189 : i32
      %get3A_191 = arith.index_cast %mul3A_190 : i32 to index
      %get3A_192 = tpu.vector_load %arg15[%get3A_191] {strides = array<i32>} : memref<64xi32, #tpu.memory_space<vmem>>, vector<16xi32>,
      %mul3A_193 = arith.constant 16 : i32
      %mul3A_194 = arith.muli %scan3A_180, %mul3A_193 : i32
      %add3A_195 = arith.constant 64 : i32
      %add3A_196 = arith.addi %add3A_195, %mul3A_194 : i32
      %swap3A_197 = arith.index_cast %add3A_196 : i32 to index
      %swap3A_198 = tpu.vector_load %arg8[%swap3A_197] {strides = array<i32>} : memref<256xi32, #tpu.memory_space<vmem>>, vector<16xi32>,
      tpu.vector_store %arg8[%swap3A_197], %get3A_192 {strides = array<i32>} : memref<256xi32, #tpu.memory_space<vmem>>, vector<16xi32>,
    }
    %scan3A_142 = arith.constant 4 : i32
    "tpu.region"() ({
      %run_scoped3A = tpu.sem_alloc : memref<!tpu.dma_semaphore, #tpu.memory_space<semaphore_mem>>
      %dma_start3A = arith.constant 0 : i32
      %dma_start3A_180 = tpu.memref_slice %arg23[%arg1, %dma_start3A] : memref<16x256xi32, #tpu.memory_space<vmem_shared>> -> memref<1x256xi32, #tpu.memory_space<vmem_shared>>
      %dma_start3A_181 = tpu.memref_squeeze %dma_start3A_180 : memref<1x256xi32, #tpu.memory_space<vmem_shared>> -> memref<256xi32, #tpu.memory_space<vmem_shared>>
      %dma_start3A_182 = arith.constant 0 : i32
      %dma_start3A_183 = tpu.memref_slice %arg23[%arg1, %dma_start3A_182] : memref<16x256xi32, #tpu.memory_space<vmem_shared>> -> memref<1x256xi32, #tpu.memory_space<vmem_shared>>
      %dma_start3A_184 = tpu.memref_squeeze %dma_start3A_183 : memref<1x256xi32, #tpu.memory_space<vmem_shared>> -> memref<256xi32, #tpu.memory_space<vmem_shared>>
      tpu.enqueue_dma source(%arg8 : memref<256xi32, #tpu.memory_space<vmem>>) target(%dma_start3A_184 : memref<256xi32, #tpu.memory_space<vmem_shared>>) target_semaphore(%run_scoped3A : memref<!tpu.dma_semaphore, #tpu.memory_space<semaphore_mem>>)
      %dma_wait3A = arith.constant 0 : i32
      %dma_wait3A_185 = tpu.memref_slice %arg23[%arg1, %dma_wait3A] : memref<16x256xi32, #tpu.memory_space<vmem_shared>> -> memref<1x256xi32, #tpu.memory_space<vmem_shared>>
      %dma_wait3A_186 = tpu.memref_squeeze %dma_wait3A_185 : memref<1x256xi32, #tpu.memory_space<vmem_shared>> -> memref<256xi32, #tpu.memory_space<vmem_shared>>
      %dma_wait3A_187 = arith.constant 0 : i32
      %dma_wait3A_188 = tpu.memref_slice %arg23[%arg1, %dma_wait3A_187] : memref<16x256xi32, #tpu.memory_space<vmem_shared>> -> memref<1x256xi32, #tpu.memory_space<vmem_shared>>
      %dma_wait3A_189 = tpu.memref_squeeze %dma_wait3A_188 : memref<1x256xi32, #tpu.memory_space<vmem_shared>> -> memref<256xi32, #tpu.memory_space<vmem_shared>>
      tpu.wait_dma2 semaphore(%run_scoped3A : memref<!tpu.dma_semaphore, #tpu.memory_space<semaphore_mem>>) src(%arg8 : memref<256xi32, #tpu.memory_space<vmem>>) dst(%dma_wait3A_189 : memref<256xi32, #tpu.memory_space<vmem_shared>>)
      tpu.yield
    }) : () -> ()
    %barrier3A_143 = arith.constant 0 : index
    tpu.barrier barrier_id(%barrier3A_143)
    "tpu.region"() ({
      %run_scoped3A = tpu.sem_alloc : memref<!tpu.dma_semaphore, #tpu.memory_space<semaphore_mem>>
      tpu.enqueue_dma source(%arg23 : memref<16x256xi32, #tpu.memory_space<vmem_shared>>) target(%arg22 : memref<16x256xi32, #tpu.memory_space<vmem>>) target_semaphore(%run_scoped3A : memref<!tpu.dma_semaphore, #tpu.memory_space<semaphore_mem>>)
      tpu.wait_dma2 semaphore(%run_scoped3A : memref<!tpu.dma_semaphore, #tpu.memory_space<semaphore_mem>>) src(%arg23 : memref<16x256xi32, #tpu.memory_space<vmem_shared>>) dst(%arg22 : memref<16x256xi32, #tpu.memory_space<vmem>>)
      tpu.yield
    }) : () -> ()
    %scan3A_144 = arith.constant 0 : i32
    %scan3A_145 = arith.constant 0 : i32
    %scan3A_146 = arith.constant 4 : i32
    %scan3A_147 = arith.addi %scan3A_145, %scan3A_146 : i32
    %scan3A_148 = arith.constant 1 : i32
    scf.for %scan3A_180 = %scan3A_145 to %scan3A_147 step %scan3A_148  : i32 {
      %scan3A_181 = arith.constant 0 : i32
      %scan3A_182 = arith.constant 16 : i32
      %scan3A_183 = arith.addi %scan3A_181, %scan3A_182 : i32
      %scan3A_184 = arith.constant 1 : i32
      %scan3A_185:2 = scf.for %scan3A_194 = %scan3A_181 to %scan3A_183 step %scan3A_184 iter_args(%scan3A_195 = %broadcast_in_dim3A_3, %scan3A_196 = %broadcast_in_dim3A_3) -> (vector<16xi32>, vector<16xi32>)  : i32 {
        %mul3A_197 = arith.constant 16 : i32
        %mul3A_198 = arith.muli %scan3A_180, %mul3A_197 : i32
        %get3A = arith.index_cast %scan3A_194 : i32 to index
        %get3A_199 = arith.index_cast %mul3A_198 : i32 to index
        %get3A_200 = tpu.vector_load %arg22[%get3A, %get3A_199] {strides = array<i32>} : memref<16x256xi32, #tpu.memory_space<vmem>>, vector<16xi32>,
        %add3A_201 = arith.addi %scan3A_195, %get3A_200 : vector<16xi32>
        %mul3A_202 = arith.constant 16 : i32
        %mul3A_203 = arith.muli %scan3A_180, %mul3A_202 : i32
        %add3A_204 = arith.constant 64 : i32
        %add3A_205 = arith.addi %add3A_204, %mul3A_203 : i32
        %get3A_206 = arith.index_cast %scan3A_194 : i32 to index
        %get3A_207 = arith.index_cast %add3A_205 : i32 to index
        %get3A_208 = tpu.vector_load %arg22[%get3A_206, %get3A_207] {strides = array<i32>} : memref<16x256xi32, #tpu.memory_space<vmem>>, vector<16xi32>,
        %add3A_209 = arith.addi %scan3A_196, %get3A_208 : vector<16xi32>
        scf.yield %add3A_201, %add3A_209 : vector<16xi32>, vector<16xi32>
      }
      %scan3A_186 = arith.constant 16 : i32
      %bitcast3A_187 = vector.bitcast %scan3A_185#0 : vector<16xi32> to vector<16xf32>
      %swap3A_188 = arith.index_cast %scan3A_180 : i32 to index
      %swap3A_189 = arith.constant 0 : index
      %swap3A_190 = tpu.vector_load %arg11[%swap3A_188, %swap3A_189] {strides = array<i32>} : memref<4x16xf32, #tpu.memory_space<vmem>>, vector<16xf32>,
      tpu.vector_store %arg11[%swap3A_188, %swap3A_189], %bitcast3A_187 {strides = array<i32>} : memref<4x16xf32, #tpu.memory_space<vmem>>, vector<16xf32>,
      %swap3A_191 = arith.index_cast %scan3A_180 : i32 to index
      %swap3A_192 = arith.constant 0 : index
      %swap3A_193 = tpu.vector_load %arg12[%swap3A_191, %swap3A_192] {strides = array<i32>} : memref<4x16xi32, #tpu.memory_space<vmem>>, vector<16xi32>,
      tpu.vector_store %arg12[%swap3A_191, %swap3A_192], %scan3A_185#1 {strides = array<i32>} : memref<4x16xi32, #tpu.memory_space<vmem>>, vector<16xi32>,
    }
    %scan3A_149 = arith.constant 4 : i32
    %scan3A_150 = arith.constant 0.000000e+00 : f32
    %scan3A_151 = arith.constant 0 : i32
    %scan3A_152 = arith.constant 4 : i32
    %scan3A_153 = arith.addi %scan3A_151, %scan3A_152 : i32
    %scan3A_154 = arith.constant 1 : i32
    %scan3A_155 = scf.for %scan3A_180 = %scan3A_151 to %scan3A_153 step %scan3A_154 iter_args(%scan3A_181 = %scan3A_150) -> (f32)  : i32 {
      %get3A = arith.index_cast %scan3A_180 : i32 to index
      %get3A_182 = arith.constant 0 : index
      %get3A_183 = tpu.vector_load %arg11[%get3A, %get3A_182] {strides = array<i32>} : memref<4x16xf32, #tpu.memory_space<vmem>>, vector<16xf32>,
      %sub3A_184 = vector.broadcast %reduce_max3A_70 : f32 to vector<16xf32>
      %sub3A_185 = arith.subf %get3A_183, %sub3A_184 : vector<16xf32>
      %mul3A_186 = arith.constant 1.000000e+00 : f32
      %mul3A_187 = vector.broadcast %mul3A_186 : f32 to vector<16xf32>
      %mul3A_188 = arith.mulf %mul3A_187, %sub3A_185 : vector<16xf32>
      %exp3A = math.exp %mul3A_188 : vector<16xf32>
      %swap3A_189 = arith.index_cast %scan3A_180 : i32 to index
      %swap3A_190 = arith.constant 0 : index
      %swap3A_191 = tpu.vector_load %arg13[%swap3A_189, %swap3A_190] {strides = array<i32>} : memref<4x16xf32, #tpu.memory_space<vmem>>, vector<16xf32>,
      tpu.vector_store %arg13[%swap3A_189, %swap3A_190], %exp3A {strides = array<i32>} : memref<4x16xf32, #tpu.memory_space<vmem>>, vector<16xf32>,
      %reduce_sum3A_192 = arith.constant true
      %reduce_sum3A_193 = vector.broadcast %reduce_sum3A_192 : i1 to vector<16xi1>
      %reduce_sum3A_194 = tpu.scan <sum>, %exp3A masked %reduce_sum3A_193 : vector<16xf32>, vector<16xi1> -> vector<16xf32>
      %reduce_sum3A_195 = vector.extract %reduce_sum3A_194[15] : f32 from vector<16xf32>
      %add3A_196 = arith.addf %scan3A_181, %reduce_sum3A_195 : f32
      scf.yield %add3A_196 : f32
    }
    %scan3A_156 = arith.constant 4 : i32
    %mul3A_157 = arith.constant 1.000000e+00 : f32
    %mul3A_158 = arith.mulf %scan3A_155, %mul3A_157 : f32
    %scan3A_159 = arith.constant 0 : i32
    %scan3A_160 = arith.constant 0 : i32
    %scan3A_161 = arith.constant 4 : i32
    %scan3A_162 = arith.addi %scan3A_160, %scan3A_161 : i32
    %scan3A_163 = arith.constant 1 : i32
    scf.for %scan3A_180 = %scan3A_160 to %scan3A_162 step %scan3A_163  : i32 {
      %get3A = arith.index_cast %scan3A_180 : i32 to index
      %get3A_181 = arith.constant 0 : index
      %get3A_182 = tpu.vector_load %arg13[%get3A, %get3A_181] {strides = array<i32>} : memref<4x16xf32, #tpu.memory_space<vmem>>, vector<16xf32>,
      %div3A = vector.broadcast %mul3A_158 : f32 to vector<16xf32>
      %div3A_183 = arith.divf %get3A_182, %div3A : vector<16xf32>
      %swap3A_184 = arith.index_cast %scan3A_180 : i32 to index
      %swap3A_185 = arith.constant 0 : index
      %swap3A_186 = tpu.vector_load %arg13[%swap3A_184, %swap3A_185] {strides = array<i32>} : memref<4x16xf32, #tpu.memory_space<vmem>>, vector<16xf32>,
      tpu.vector_store %arg13[%swap3A_184, %swap3A_185], %div3A_183 {strides = array<i32>} : memref<4x16xf32, #tpu.memory_space<vmem>>, vector<16xf32>,
    }
    %scan3A_164 = arith.constant 4 : i32
    %shift_right_arithmetic3A = arith.constant 2 : i32
    %shift_right_arithmetic3A_165 = vector.broadcast %shift_right_arithmetic3A : i32 to vector<16xi32>
    %shift_right_arithmetic3A_166 = arith.shrsi %iota3A, %shift_right_arithmetic3A_165 : vector<16xi32>
    %and3A = arith.constant 3 : i32
    %and3A_167 = vector.broadcast %and3A : i32 to vector<16xi32>
    %and3A_168 = arith.andi %iota3A, %and3A_167 : vector<16xi32>
    %add3A_169 = arith.constant 0 : i32
    %add3A_170 = arith.addi %arg1, %add3A_169 : i32
    %lt3A = arith.constant 18 : i32
    %lt3A_171 = arith.cmpi slt, %add3A_170, %lt3A : i32
    %convert_element_type3A = arith.extui %lt3A_171 : i1 to i32
    %cond3A = arith.constant 0 : i32
    %cond3A_172 = arith.cmpi ne, %convert_element_type3A, %cond3A : i32
    scf.if %cond3A_172 {
      %scan3A_180 = arith.constant 0 : i32
      %scan3A_181 = arith.constant 0 : i32
      %scan3A_182 = arith.constant 4 : i32
      %scan3A_183 = arith.addi %scan3A_181, %scan3A_182 : i32
      %scan3A_184 = arith.constant 1 : i32
      scf.for %scan3A_230 = %scan3A_181 to %scan3A_183 step %scan3A_184  : i32 {
        %get3A = arith.index_cast %scan3A_230 : i32 to index
        %get3A_231 = arith.constant 0 : index
        %get3A_232 = tpu.vector_load %arg12[%get3A, %get3A_231] {strides = array<i32>} : memref<4x16xi32, #tpu.memory_space<vmem>>, vector<16xi32>,
        %mul3A_233 = arith.constant 3128 : i32
        %mul3A_234 = arith.muli %add3A_170, %mul3A_233 : i32
        %shift_right_arithmetic3A_235 = arith.constant 7 : i32
        %shift_right_arithmetic3A_236 = vector.broadcast %shift_right_arithmetic3A_235 : i32 to vector<16xi32>
        %shift_right_arithmetic3A_237 = arith.shrsi %get3A_232, %shift_right_arithmetic3A_236 : vector<16xi32>
        %shift_left3A = arith.constant 2 : i32
        %shift_left3A_238 = vector.broadcast %shift_left3A : i32 to vector<16xi32>
        %shift_left3A_239 = arith.shli %shift_right_arithmetic3A_237, %shift_left3A_238 : vector<16xi32>
        %add3A_240 = vector.broadcast %mul3A_234 : i32 to vector<16xi32>
        %add3A_241 = arith.addi %add3A_240, %shift_left3A_239 : vector<16xi32>
        %and3A_242 = arith.constant 127 : i32
        %and3A_243 = vector.broadcast %and3A_242 : i32 to vector<16xi32>
        %and3A_244 = arith.andi %get3A_232, %and3A_243 : vector<16xi32>
        %mul3A_245 = arith.constant 16 : i32
        %mul3A_246 = arith.muli %scan3A_230, %mul3A_245 : i32
        %swap3A_247 = arith.index_cast %mul3A_246 : i32 to index
        %swap3A_248 = tpu.vector_load %arg17[%swap3A_247] {strides = array<i32>} : memref<64xi32, #tpu.memory_space<vmem>>, vector<16xi32>,
        tpu.vector_store %arg17[%swap3A_247], %and3A_244 {strides = array<i32>} : memref<64xi32, #tpu.memory_space<vmem>>, vector<16xi32>,
        %mul3A_249 = arith.constant 16 : i32
        %mul3A_250 = arith.muli %scan3A_230, %mul3A_249 : i32
        %add3A_251 = vector.broadcast %mul3A_250 : i32 to vector<16xi32>
        %add3A_252 = arith.addi %add3A_251, %iota3A : vector<16xi32>
        %mul3A_253 = arith.constant 4 : i32
        %mul3A_254 = vector.broadcast %mul3A_253 : i32 to vector<16xi32>
        %mul3A_255 = arith.muli %add3A_252, %mul3A_254 : vector<16xi32>
        %add3A_256 = arith.constant 0 : i32
        %add3A_257 = vector.broadcast %add3A_256 : i32 to vector<16xi32>
        %add3A_258 = arith.addi %mul3A_255, %add3A_257 : vector<16xi32>
        %add3A_259 = arith.constant 0 : i32
        %add3A_260 = vector.broadcast %add3A_259 : i32 to vector<16xi32>
        %add3A_261 = arith.addi %add3A_241, %add3A_260 : vector<16xi32>
        tpu.vector_store_idx %arg16[%add3A_258], %add3A_261 : memref<256xi32, #tpu.memory_space<vmem>>[vector<16xi32>], vector<16xi32>,
        %mul3A_262 = arith.constant 16 : i32
        %mul3A_263 = arith.muli %scan3A_230, %mul3A_262 : i32
        %add3A_264 = vector.broadcast %mul3A_263 : i32 to vector<16xi32>
        %add3A_265 = arith.addi %add3A_264, %iota3A : vector<16xi32>
        %mul3A_266 = arith.constant 4 : i32
        %mul3A_267 = vector.broadcast %mul3A_266 : i32 to vector<16xi32>
        %mul3A_268 = arith.muli %add3A_265, %mul3A_267 : vector<16xi32>
        %add3A_269 = arith.constant 1 : i32
        %add3A_270 = vector.broadcast %add3A_269 : i32 to vector<16xi32>
        %add3A_271 = arith.addi %mul3A_268, %add3A_270 : vector<16xi32>
        %add3A_272 = arith.constant 1 : i32
        %add3A_273 = vector.broadcast %add3A_272 : i32 to vector<16xi32>
        %add3A_274 = arith.addi %add3A_241, %add3A_273 : vector<16xi32>
        tpu.vector_store_idx %arg16[%add3A_271], %add3A_274 : memref<256xi32, #tpu.memory_space<vmem>>[vector<16xi32>], vector<16xi32>,
        %mul3A_275 = arith.constant 16 : i32
        %mul3A_276 = arith.muli %scan3A_230, %mul3A_275 : i32
        %add3A_277 = vector.broadcast %mul3A_276 : i32 to vector<16xi32>
        %add3A_278 = arith.addi %add3A_277, %iota3A : vector<16xi32>
        %mul3A_279 = arith.constant 4 : i32
        %mul3A_280 = vector.broadcast %mul3A_279 : i32 to vector<16xi32>
        %mul3A_281 = arith.muli %add3A_278, %mul3A_280 : vector<16xi32>
        %add3A_282 = arith.constant 2 : i32
        %add3A_283 = vector.broadcast %add3A_282 : i32 to vector<16xi32>
        %add3A_284 = arith.addi %mul3A_281, %add3A_283 : vector<16xi32>
        %add3A_285 = arith.constant 2 : i32
        %add3A_286 = vector.broadcast %add3A_285 : i32 to vector<16xi32>
        %add3A_287 = arith.addi %add3A_241, %add3A_286 : vector<16xi32>
        tpu.vector_store_idx %arg16[%add3A_284], %add3A_287 : memref<256xi32, #tpu.memory_space<vmem>>[vector<16xi32>], vector<16xi32>,
        %mul3A_288 = arith.constant 16 : i32
        %mul3A_289 = arith.muli %scan3A_230, %mul3A_288 : i32
        %add3A_290 = vector.broadcast %mul3A_289 : i32 to vector<16xi32>
        %add3A_291 = arith.addi %add3A_290, %iota3A : vector<16xi32>
        %mul3A_292 = arith.constant 4 : i32
        %mul3A_293 = vector.broadcast %mul3A_292 : i32 to vector<16xi32>
        %mul3A_294 = arith.muli %add3A_291, %mul3A_293 : vector<16xi32>
        %add3A_295 = arith.constant 3 : i32
        %add3A_296 = vector.broadcast %add3A_295 : i32 to vector<16xi32>
        %add3A_297 = arith.addi %mul3A_294, %add3A_296 : vector<16xi32>
        %add3A_298 = arith.constant 3 : i32
        %add3A_299 = vector.broadcast %add3A_298 : i32 to vector<16xi32>
        %add3A_300 = arith.addi %add3A_241, %add3A_299 : vector<16xi32>
        tpu.vector_store_idx %arg16[%add3A_297], %add3A_300 : memref<256xi32, #tpu.memory_space<vmem>>[vector<16xi32>], vector<16xi32>,
      }
      %scan3A_185 = arith.constant 4 : i32
      %dma_start3A = arith.constant 0 : i32
      %dma_start3A_186 = arith.constant 0 : i32
      %dma_start3A_187 = tpu.memref_slice %arg3[%dma_start3A, %dma_start3A_186] : memref<56304x128xf32, #tpu.memory_space<hbm>> -> memref<56304x128xf32, #tpu.memory_space<hbm>>
      tpu.enqueue_indirect_dma source(%dma_start3A_187 : memref<56304x128xf32, #tpu.memory_space<hbm>>) target(%arg18 : memref<256x128xf32, #tpu.memory_space<vmem>>) offsets(%arg16 : memref<256xi32, #tpu.memory_space<vmem>>) semaphore(%arg24 : memref<!tpu.dma_semaphore, #tpu.memory_space<semaphore_mem>>)
      %dma_wait3A = arith.constant 0 : i32
      %dma_wait3A_188 = arith.constant 0 : i32
      %dma_wait3A_189 = tpu.memref_slice %arg3[%dma_wait3A, %dma_wait3A_188] : memref<56304x128xf32, #tpu.memory_space<hbm>> -> memref<56304x128xf32, #tpu.memory_space<hbm>>
      tpu.wait_indirect_dma semaphore(%arg24 : memref<!tpu.dma_semaphore, #tpu.memory_space<semaphore_mem>>) src(%dma_wait3A_189 : memref<56304x128xf32, #tpu.memory_space<hbm>>) dst(%arg18 : memref<256x128xf32, #tpu.memory_space<vmem>>)
      %broadcast_in_dim3A_190 = arith.constant 0.000000e+00 : f32
      %broadcast_in_dim3A_191 = vector.broadcast %broadcast_in_dim3A_190 : f32 to vector<16xf32>
      %scan3A_192 = arith.constant 0 : i32
      %scan3A_193 = arith.constant 16 : i32
      %scan3A_194 = arith.addi %scan3A_192, %scan3A_193 : i32
      %scan3A_195 = arith.constant 1 : i32
      %scan3A_196 = scf.for %scan3A_230 = %scan3A_192 to %scan3A_194 step %scan3A_195 iter_args(%scan3A_231 = %broadcast_in_dim3A_191) -> (vector<16xf32>)  : i32 {
        %mul3A_232 = arith.constant 4 : i32
        %mul3A_233 = arith.muli %scan3A_230, %mul3A_232 : i32
        %add3A_234 = vector.broadcast %mul3A_233 : i32 to vector<16xi32>
        %add3A_235 = arith.addi %add3A_234, %shift_right_arithmetic3A_166 : vector<16xi32>
        %gather3A_236 = tpu.vector_load_idx %arg17[%add3A_235] : memref<64xi32, #tpu.memory_space<vmem>>[vector<16xi32>], vector<16xi32>,
        %mul3A_237 = arith.constant 4 : i32
        %mul3A_238 = vector.broadcast %mul3A_237 : i32 to vector<16xi32>
        %mul3A_239 = arith.muli %add3A_235, %mul3A_238 : vector<16xi32>
        %add3A_240 = arith.addi %mul3A_239, %and3A_168 : vector<16xi32>
        %gather3A_241 = tpu.vector_load_idx %arg18[%add3A_240, %gather3A_236] : memref<256x128xf32, #tpu.memory_space<vmem>>[vector<16xi32>, vector<16xi32>], vector<16xf32>,
        %shift_right_arithmetic3A_242 = arith.constant 4 : i32
        %shift_right_arithmetic3A_243 = vector.broadcast %shift_right_arithmetic3A_242 : i32 to vector<16xi32>
        %shift_right_arithmetic3A_244 = arith.shrsi %add3A_235, %shift_right_arithmetic3A_243 : vector<16xi32>
        %and3A_245 = arith.constant 15 : i32
        %and3A_246 = vector.broadcast %and3A_245 : i32 to vector<16xi32>
        %and3A_247 = arith.andi %add3A_235, %and3A_246 : vector<16xi32>
        %gather3A_248 = tpu.vector_load_idx %arg13[%shift_right_arithmetic3A_244, %and3A_247] : memref<4x16xf32, #tpu.memory_space<vmem>>[vector<16xi32>, vector<16xi32>], vector<16xf32>,
        %mul3A_249 = arith.mulf %gather3A_241, %gather3A_248 : vector<16xf32>
        %add3A_250 = arith.addf %scan3A_231, %mul3A_249 : vector<16xf32>
        scf.yield %add3A_250 : vector<16xf32>
      }
      %scan3A_197 = arith.constant 16 : i32
      %swap3A_198 = arith.constant 0 : index
      %swap3A_199 = tpu.vector_load %arg19[%swap3A_198] {strides = array<i32>} : memref<16xf32, #tpu.memory_space<vmem>>, vector<16xf32>,
      tpu.vector_store %arg19[%swap3A_198], %scan3A_196 {strides = array<i32>} : memref<16xf32, #tpu.memory_space<vmem>>, vector<16xf32>,
      %gather3A_200 = tpu.vector_load_idx %arg19[%and3A_168] : memref<16xf32, #tpu.memory_space<vmem>>[vector<16xi32>], vector<16xf32>,
      %add3A_201 = arith.constant 4 : i32
      %add3A_202 = vector.broadcast %add3A_201 : i32 to vector<16xi32>
      %add3A_203 = arith.addi %and3A_168, %add3A_202 : vector<16xi32>
      %gather3A_204 = tpu.vector_load_idx %arg19[%add3A_203] : memref<16xf32, #tpu.memory_space<vmem>>[vector<16xi32>], vector<16xf32>,
      %add3A_205 = arith.addf %gather3A_200, %gather3A_204 : vector<16xf32>
      %add3A_206 = arith.constant 8 : i32
      %add3A_207 = vector.broadcast %add3A_206 : i32 to vector<16xi32>
      %add3A_208 = arith.addi %and3A_168, %add3A_207 : vector<16xi32>
      %gather3A_209 = tpu.vector_load_idx %arg19[%add3A_208] : memref<16xf32, #tpu.memory_space<vmem>>[vector<16xi32>], vector<16xf32>,
      %add3A_210 = arith.addf %add3A_205, %gather3A_209 : vector<16xf32>
      %add3A_211 = arith.constant 12 : i32
      %add3A_212 = vector.broadcast %add3A_211 : i32 to vector<16xi32>
      %add3A_213 = arith.addi %and3A_168, %add3A_212 : vector<16xi32>
      %gather3A_214 = tpu.vector_load_idx %arg19[%add3A_213] : memref<16xf32, #tpu.memory_space<vmem>>[vector<16xi32>], vector<16xf32>,
      %add3A_215 = arith.addf %add3A_210, %gather3A_214 : vector<16xf32>
      %mul3A_216 = arith.constant 4 : i32
      %mul3A_217 = arith.muli %add3A_170, %mul3A_216 : i32
      %add3A_218 = vector.broadcast %mul3A_217 : i32 to vector<16xi32>
      %add3A_219 = arith.addi %add3A_218, %and3A_168 : vector<16xi32>
      %gather3A_220 = tpu.vector_load_idx %arg20[%add3A_219] : memref<80xf32, #tpu.memory_space<vmem>>[vector<16xi32>], vector<16xf32>,
      %mul3A_221 = arith.constant 1.000000e-01 : f32
      %mul3A_222 = vector.broadcast %mul3A_221 : f32 to vector<16xf32>
      %mul3A_223 = arith.mulf %mul3A_222, %gather3A_220 : vector<16xf32>
      %mul3A_224 = arith.constant 0.899999976 : f32
      %mul3A_225 = vector.broadcast %mul3A_224 : f32 to vector<16xf32>
      %mul3A_226 = arith.mulf %mul3A_225, %add3A_215 : vector<16xf32>
      %add3A_227 = arith.addf %mul3A_223, %mul3A_226 : vector<16xf32>
      %swap3A_228 = arith.constant 0 : index
      %swap3A_229 = tpu.vector_load %arg21[%swap3A_228] {strides = array<i32>} : memref<128xf32, #tpu.memory_space<vmem>>, vector<16xf32>,
      tpu.vector_store %arg21[%swap3A_228], %add3A_227 {strides = array<i32>} : memref<128xf32, #tpu.memory_space<vmem>>, vector<16xf32>,
      "tpu.region"() ({
        %run_scoped3A = tpu.sem_alloc : memref<!tpu.dma_semaphore, #tpu.memory_space<semaphore_mem>>
        %dma_start3A_230 = arith.constant 0 : i32
        %dma_start3A_231 = tpu.memref_slice %arg5[%add3A_170, %dma_start3A_230] : memref<18x128xf32, #tpu.memory_space<hbm>> -> memref<1x128xf32, #tpu.memory_space<hbm>>
        %dma_start3A_232 = tpu.memref_squeeze %dma_start3A_231 : memref<1x128xf32, #tpu.memory_space<hbm>> -> memref<128xf32, #tpu.memory_space<hbm>>
        %dma_start3A_233 = arith.constant 0 : i32
        %dma_start3A_234 = tpu.memref_slice %arg5[%add3A_170, %dma_start3A_233] : memref<18x128xf32, #tpu.memory_space<hbm>> -> memref<1x128xf32, #tpu.memory_space<hbm>>
        %dma_start3A_235 = tpu.memref_squeeze %dma_start3A_234 : memref<1x128xf32, #tpu.memory_space<hbm>> -> memref<128xf32, #tpu.memory_space<hbm>>
        tpu.enqueue_dma source(%arg21 : memref<128xf32, #tpu.memory_space<vmem>>) target(%dma_start3A_235 : memref<128xf32, #tpu.memory_space<hbm>>) target_semaphore(%run_scoped3A : memref<!tpu.dma_semaphore, #tpu.memory_space<semaphore_mem>>)
        %dma_wait3A_236 = arith.constant 0 : i32
        %dma_wait3A_237 = tpu.memref_slice %arg5[%add3A_170, %dma_wait3A_236] : memref<18x128xf32, #tpu.memory_space<hbm>> -> memref<1x128xf32, #tpu.memory_space<hbm>>
        %dma_wait3A_238 = tpu.memref_squeeze %dma_wait3A_237 : memref<1x128xf32, #tpu.memory_space<hbm>> -> memref<128xf32, #tpu.memory_space<hbm>>
        %dma_wait3A_239 = arith.constant 0 : i32
        %dma_wait3A_240 = tpu.memref_slice %arg5[%add3A_170, %dma_wait3A_239] : memref<18x128xf32, #tpu.memory_space<hbm>> -> memref<1x128xf32, #tpu.memory_space<hbm>>
        %dma_wait3A_241 = tpu.memref_squeeze %dma_wait3A_240 : memref<1x128xf32, #tpu.memory_space<hbm>> -> memref<128xf32, #tpu.memory_space<hbm>>
        tpu.wait_dma2 semaphore(%run_scoped3A : memref<!tpu.dma_semaphore, #tpu.memory_space<semaphore_mem>>) src(%arg21 : memref<128xf32, #tpu.memory_space<vmem>>) dst(%dma_wait3A_241 : memref<128xf32, #tpu.memory_space<hbm>>)
        tpu.yield
      }) : () -> ()
    } else {
    }
    %add3A_173 = arith.constant 16 : i32
    %add3A_174 = arith.addi %arg1, %add3A_173 : i32
    %lt3A_175 = arith.constant 18 : i32
    %lt3A_176 = arith.cmpi slt, %add3A_174, %lt3A_175 : i32
    %convert_element_type3A_177 = arith.extui %lt3A_176 : i1 to i32
    %cond3A_178 = arith.constant 0 : i32
    %cond3A_179 = arith.cmpi ne, %convert_element_type3A_177, %cond3A_178 : i32
    scf.if %cond3A_179 {
      %scan3A_180 = arith.constant 0 : i32
      %scan3A_181 = arith.constant 0 : i32
      %scan3A_182 = arith.constant 4 : i32
      %scan3A_183 = arith.addi %scan3A_181, %scan3A_182 : i32
      %scan3A_184 = arith.constant 1 : i32
      scf.for %scan3A_230 = %scan3A_181 to %scan3A_183 step %scan3A_184  : i32 {
        %get3A = arith.index_cast %scan3A_230 : i32 to index
        %get3A_231 = arith.constant 0 : index
        %get3A_232 = tpu.vector_load %arg12[%get3A, %get3A_231] {strides = array<i32>} : memref<4x16xi32, #tpu.memory_space<vmem>>, vector<16xi32>,
        %mul3A_233 = arith.constant 3128 : i32
        %mul3A_234 = arith.muli %add3A_174, %mul3A_233 : i32
        %shift_right_arithmetic3A_235 = arith.constant 7 : i32
        %shift_right_arithmetic3A_236 = vector.broadcast %shift_right_arithmetic3A_235 : i32 to vector<16xi32>
        %shift_right_arithmetic3A_237 = arith.shrsi %get3A_232, %shift_right_arithmetic3A_236 : vector<16xi32>
        %shift_left3A = arith.constant 2 : i32
        %shift_left3A_238 = vector.broadcast %shift_left3A : i32 to vector<16xi32>
        %shift_left3A_239 = arith.shli %shift_right_arithmetic3A_237, %shift_left3A_238 : vector<16xi32>
        %add3A_240 = vector.broadcast %mul3A_234 : i32 to vector<16xi32>
        %add3A_241 = arith.addi %add3A_240, %shift_left3A_239 : vector<16xi32>
        %and3A_242 = arith.constant 127 : i32
        %and3A_243 = vector.broadcast %and3A_242 : i32 to vector<16xi32>
        %and3A_244 = arith.andi %get3A_232, %and3A_243 : vector<16xi32>
        %mul3A_245 = arith.constant 16 : i32
        %mul3A_246 = arith.muli %scan3A_230, %mul3A_245 : i32
        %swap3A_247 = arith.index_cast %mul3A_246 : i32 to index
        %swap3A_248 = tpu.vector_load %arg17[%swap3A_247] {strides = array<i32>} : memref<64xi32, #tpu.memory_space<vmem>>, vector<16xi32>,
        tpu.vector_store %arg17[%swap3A_247], %and3A_244 {strides = array<i32>} : memref<64xi32, #tpu.memory_space<vmem>>, vector<16xi32>,
        %mul3A_249 = arith.constant 16 : i32
        %mul3A_250 = arith.muli %scan3A_230, %mul3A_249 : i32
        %add3A_251 = vector.broadcast %mul3A_250 : i32 to vector<16xi32>
        %add3A_252 = arith.addi %add3A_251, %iota3A : vector<16xi32>
        %mul3A_253 = arith.constant 4 : i32
        %mul3A_254 = vector.broadcast %mul3A_253 : i32 to vector<16xi32>
        %mul3A_255 = arith.muli %add3A_252, %mul3A_254 : vector<16xi32>
        %add3A_256 = arith.constant 0 : i32
        %add3A_257 = vector.broadcast %add3A_256 : i32 to vector<16xi32>
        %add3A_258 = arith.addi %mul3A_255, %add3A_257 : vector<16xi32>
        %add3A_259 = arith.constant 0 : i32
        %add3A_260 = vector.broadcast %add3A_259 : i32 to vector<16xi32>
        %add3A_261 = arith.addi %add3A_241, %add3A_260 : vector<16xi32>
        tpu.vector_store_idx %arg16[%add3A_258], %add3A_261 : memref<256xi32, #tpu.memory_space<vmem>>[vector<16xi32>], vector<16xi32>,
        %mul3A_262 = arith.constant 16 : i32
        %mul3A_263 = arith.muli %scan3A_230, %mul3A_262 : i32
        %add3A_264 = vector.broadcast %mul3A_263 : i32 to vector<16xi32>
        %add3A_265 = arith.addi %add3A_264, %iota3A : vector<16xi32>
        %mul3A_266 = arith.constant 4 : i32
        %mul3A_267 = vector.broadcast %mul3A_266 : i32 to vector<16xi32>
        %mul3A_268 = arith.muli %add3A_265, %mul3A_267 : vector<16xi32>
        %add3A_269 = arith.constant 1 : i32
        %add3A_270 = vector.broadcast %add3A_269 : i32 to vector<16xi32>
        %add3A_271 = arith.addi %mul3A_268, %add3A_270 : vector<16xi32>
        %add3A_272 = arith.constant 1 : i32
        %add3A_273 = vector.broadcast %add3A_272 : i32 to vector<16xi32>
        %add3A_274 = arith.addi %add3A_241, %add3A_273 : vector<16xi32>
        tpu.vector_store_idx %arg16[%add3A_271], %add3A_274 : memref<256xi32, #tpu.memory_space<vmem>>[vector<16xi32>], vector<16xi32>,
        %mul3A_275 = arith.constant 16 : i32
        %mul3A_276 = arith.muli %scan3A_230, %mul3A_275 : i32
        %add3A_277 = vector.broadcast %mul3A_276 : i32 to vector<16xi32>
        %add3A_278 = arith.addi %add3A_277, %iota3A : vector<16xi32>
        %mul3A_279 = arith.constant 4 : i32
        %mul3A_280 = vector.broadcast %mul3A_279 : i32 to vector<16xi32>
        %mul3A_281 = arith.muli %add3A_278, %mul3A_280 : vector<16xi32>
        %add3A_282 = arith.constant 2 : i32
        %add3A_283 = vector.broadcast %add3A_282 : i32 to vector<16xi32>
        %add3A_284 = arith.addi %mul3A_281, %add3A_283 : vector<16xi32>
        %add3A_285 = arith.constant 2 : i32
        %add3A_286 = vector.broadcast %add3A_285 : i32 to vector<16xi32>
        %add3A_287 = arith.addi %add3A_241, %add3A_286 : vector<16xi32>
        tpu.vector_store_idx %arg16[%add3A_284], %add3A_287 : memref<256xi32, #tpu.memory_space<vmem>>[vector<16xi32>], vector<16xi32>,
        %mul3A_288 = arith.constant 16 : i32
        %mul3A_289 = arith.muli %scan3A_230, %mul3A_288 : i32
        %add3A_290 = vector.broadcast %mul3A_289 : i32 to vector<16xi32>
        %add3A_291 = arith.addi %add3A_290, %iota3A : vector<16xi32>
        %mul3A_292 = arith.constant 4 : i32
        %mul3A_293 = vector.broadcast %mul3A_292 : i32 to vector<16xi32>
        %mul3A_294 = arith.muli %add3A_291, %mul3A_293 : vector<16xi32>
        %add3A_295 = arith.constant 3 : i32
        %add3A_296 = vector.broadcast %add3A_295 : i32 to vector<16xi32>
        %add3A_297 = arith.addi %mul3A_294, %add3A_296 : vector<16xi32>
        %add3A_298 = arith.constant 3 : i32
        %add3A_299 = vector.broadcast %add3A_298 : i32 to vector<16xi32>
        %add3A_300 = arith.addi %add3A_241, %add3A_299 : vector<16xi32>
        tpu.vector_store_idx %arg16[%add3A_297], %add3A_300 : memref<256xi32, #tpu.memory_space<vmem>>[vector<16xi32>], vector<16xi32>,
      }
      %scan3A_185 = arith.constant 4 : i32
      %dma_start3A = arith.constant 0 : i32
      %dma_start3A_186 = arith.constant 0 : i32
      %dma_start3A_187 = tpu.memref_slice %arg3[%dma_start3A, %dma_start3A_186] : memref<56304x128xf32, #tpu.memory_space<hbm>> -> memref<56304x128xf32, #tpu.memory_space<hbm>>
      tpu.enqueue_indirect_dma source(%dma_start3A_187 : memref<56304x128xf32, #tpu.memory_space<hbm>>) target(%arg18 : memref<256x128xf32, #tpu.memory_space<vmem>>) offsets(%arg16 : memref<256xi32, #tpu.memory_space<vmem>>) semaphore(%arg24 : memref<!tpu.dma_semaphore, #tpu.memory_space<semaphore_mem>>)
      %dma_wait3A = arith.constant 0 : i32
      %dma_wait3A_188 = arith.constant 0 : i32
      %dma_wait3A_189 = tpu.memref_slice %arg3[%dma_wait3A, %dma_wait3A_188] : memref<56304x128xf32, #tpu.memory_space<hbm>> -> memref<56304x128xf32, #tpu.memory_space<hbm>>
      tpu.wait_indirect_dma semaphore(%arg24 : memref<!tpu.dma_semaphore, #tpu.memory_space<semaphore_mem>>) src(%dma_wait3A_189 : memref<56304x128xf32, #tpu.memory_space<hbm>>) dst(%arg18 : memref<256x128xf32, #tpu.memory_space<vmem>>)
      %broadcast_in_dim3A_190 = arith.constant 0.000000e+00 : f32
      %broadcast_in_dim3A_191 = vector.broadcast %broadcast_in_dim3A_190 : f32 to vector<16xf32>
      %scan3A_192 = arith.constant 0 : i32
      %scan3A_193 = arith.constant 16 : i32
      %scan3A_194 = arith.addi %scan3A_192, %scan3A_193 : i32
      %scan3A_195 = arith.constant 1 : i32
      %scan3A_196 = scf.for %scan3A_230 = %scan3A_192 to %scan3A_194 step %scan3A_195 iter_args(%scan3A_231 = %broadcast_in_dim3A_191) -> (vector<16xf32>)  : i32 {
        %mul3A_232 = arith.constant 4 : i32
        %mul3A_233 = arith.muli %scan3A_230, %mul3A_232 : i32
        %add3A_234 = vector.broadcast %mul3A_233 : i32 to vector<16xi32>
        %add3A_235 = arith.addi %add3A_234, %shift_right_arithmetic3A_166 : vector<16xi32>
        %gather3A_236 = tpu.vector_load_idx %arg17[%add3A_235] : memref<64xi32, #tpu.memory_space<vmem>>[vector<16xi32>], vector<16xi32>,
        %mul3A_237 = arith.constant 4 : i32
        %mul3A_238 = vector.broadcast %mul3A_237 : i32 to vector<16xi32>
        %mul3A_239 = arith.muli %add3A_235, %mul3A_238 : vector<16xi32>
        %add3A_240 = arith.addi %mul3A_239, %and3A_168 : vector<16xi32>
        %gather3A_241 = tpu.vector_load_idx %arg18[%add3A_240, %gather3A_236] : memref<256x128xf32, #tpu.memory_space<vmem>>[vector<16xi32>, vector<16xi32>], vector<16xf32>,
        %shift_right_arithmetic3A_242 = arith.constant 4 : i32
        %shift_right_arithmetic3A_243 = vector.broadcast %shift_right_arithmetic3A_242 : i32 to vector<16xi32>
        %shift_right_arithmetic3A_244 = arith.shrsi %add3A_235, %shift_right_arithmetic3A_243 : vector<16xi32>
        %and3A_245 = arith.constant 15 : i32
        %and3A_246 = vector.broadcast %and3A_245 : i32 to vector<16xi32>
        %and3A_247 = arith.andi %add3A_235, %and3A_246 : vector<16xi32>
        %gather3A_248 = tpu.vector_load_idx %arg13[%shift_right_arithmetic3A_244, %and3A_247] : memref<4x16xf32, #tpu.memory_space<vmem>>[vector<16xi32>, vector<16xi32>], vector<16xf32>,
        %mul3A_249 = arith.mulf %gather3A_241, %gather3A_248 : vector<16xf32>
        %add3A_250 = arith.addf %scan3A_231, %mul3A_249 : vector<16xf32>
        scf.yield %add3A_250 : vector<16xf32>
      }
      %scan3A_197 = arith.constant 16 : i32
      %swap3A_198 = arith.constant 0 : index
      %swap3A_199 = tpu.vector_load %arg19[%swap3A_198] {strides = array<i32>} : memref<16xf32, #tpu.memory_space<vmem>>, vector<16xf32>,
      tpu.vector_store %arg19[%swap3A_198], %scan3A_196 {strides = array<i32>} : memref<16xf32, #tpu.memory_space<vmem>>, vector<16xf32>,
      %gather3A_200 = tpu.vector_load_idx %arg19[%and3A_168] : memref<16xf32, #tpu.memory_space<vmem>>[vector<16xi32>], vector<16xf32>,
      %add3A_201 = arith.constant 4 : i32
      %add3A_202 = vector.broadcast %add3A_201 : i32 to vector<16xi32>
      %add3A_203 = arith.addi %and3A_168, %add3A_202 : vector<16xi32>
      %gather3A_204 = tpu.vector_load_idx %arg19[%add3A_203] : memref<16xf32, #tpu.memory_space<vmem>>[vector<16xi32>], vector<16xf32>,
      %add3A_205 = arith.addf %gather3A_200, %gather3A_204 : vector<16xf32>
      %add3A_206 = arith.constant 8 : i32
      %add3A_207 = vector.broadcast %add3A_206 : i32 to vector<16xi32>
      %add3A_208 = arith.addi %and3A_168, %add3A_207 : vector<16xi32>
      %gather3A_209 = tpu.vector_load_idx %arg19[%add3A_208] : memref<16xf32, #tpu.memory_space<vmem>>[vector<16xi32>], vector<16xf32>,
      %add3A_210 = arith.addf %add3A_205, %gather3A_209 : vector<16xf32>
      %add3A_211 = arith.constant 12 : i32
      %add3A_212 = vector.broadcast %add3A_211 : i32 to vector<16xi32>
      %add3A_213 = arith.addi %and3A_168, %add3A_212 : vector<16xi32>
      %gather3A_214 = tpu.vector_load_idx %arg19[%add3A_213] : memref<16xf32, #tpu.memory_space<vmem>>[vector<16xi32>], vector<16xf32>,
      %add3A_215 = arith.addf %add3A_210, %gather3A_214 : vector<16xf32>
      %mul3A_216 = arith.constant 4 : i32
      %mul3A_217 = arith.muli %add3A_174, %mul3A_216 : i32
      %add3A_218 = vector.broadcast %mul3A_217 : i32 to vector<16xi32>
      %add3A_219 = arith.addi %add3A_218, %and3A_168 : vector<16xi32>
      %gather3A_220 = tpu.vector_load_idx %arg20[%add3A_219] : memref<80xf32, #tpu.memory_space<vmem>>[vector<16xi32>], vector<16xf32>,
      %mul3A_221 = arith.constant 1.000000e-01 : f32
      %mul3A_222 = vector.broadcast %mul3A_221 : f32 to vector<16xf32>
      %mul3A_223 = arith.mulf %mul3A_222, %gather3A_220 : vector<16xf32>
      %mul3A_224 = arith.constant 0.899999976 : f32
      %mul3A_225 = vector.broadcast %mul3A_224 : f32 to vector<16xf32>
      %mul3A_226 = arith.mulf %mul3A_225, %add3A_215 : vector<16xf32>
      %add3A_227 = arith.addf %mul3A_223, %mul3A_226 : vector<16xf32>
      %swap3A_228 = arith.constant 0 : index
      %swap3A_229 = tpu.vector_load %arg21[%swap3A_228] {strides = array<i32>} : memref<128xf32, #tpu.memory_space<vmem>>, vector<16xf32>,
      tpu.vector_store %arg21[%swap3A_228], %add3A_227 {strides = array<i32>} : memref<128xf32, #tpu.memory_space<vmem>>, vector<16xf32>,
      "tpu.region"() ({
        %run_scoped3A = tpu.sem_alloc : memref<!tpu.dma_semaphore, #tpu.memory_space<semaphore_mem>>
        %dma_start3A_230 = arith.constant 0 : i32
        %dma_start3A_231 = tpu.memref_slice %arg5[%add3A_174, %dma_start3A_230] : memref<18x128xf32, #tpu.memory_space<hbm>> -> memref<1x128xf32, #tpu.memory_space<hbm>>
        %dma_start3A_232 = tpu.memref_squeeze %dma_start3A_231 : memref<1x128xf32, #tpu.memory_space<hbm>> -> memref<128xf32, #tpu.memory_space<hbm>>
        %dma_start3A_233 = arith.constant 0 : i32
        %dma_start3A_234 = tpu.memref_slice %arg5[%add3A_174, %dma_start3A_233] : memref<18x128xf32, #tpu.memory_space<hbm>> -> memref<1x128xf32, #tpu.memory_space<hbm>>
        %dma_start3A_235 = tpu.memref_squeeze %dma_start3A_234 : memref<1x128xf32, #tpu.memory_space<hbm>> -> memref<128xf32, #tpu.memory_space<hbm>>
        tpu.enqueue_dma source(%arg21 : memref<128xf32, #tpu.memory_space<vmem>>) target(%dma_start3A_235 : memref<128xf32, #tpu.memory_space<hbm>>) target_semaphore(%run_scoped3A : memref<!tpu.dma_semaphore, #tpu.memory_space<semaphore_mem>>)
        %dma_wait3A_236 = arith.constant 0 : i32
        %dma_wait3A_237 = tpu.memref_slice %arg5[%add3A_174, %dma_wait3A_236] : memref<18x128xf32, #tpu.memory_space<hbm>> -> memref<1x128xf32, #tpu.memory_space<hbm>>
        %dma_wait3A_238 = tpu.memref_squeeze %dma_wait3A_237 : memref<1x128xf32, #tpu.memory_space<hbm>> -> memref<128xf32, #tpu.memory_space<hbm>>
        %dma_wait3A_239 = arith.constant 0 : i32
        %dma_wait3A_240 = tpu.memref_slice %arg5[%add3A_174, %dma_wait3A_239] : memref<18x128xf32, #tpu.memory_space<hbm>> -> memref<1x128xf32, #tpu.memory_space<hbm>>
        %dma_wait3A_241 = tpu.memref_squeeze %dma_wait3A_240 : memref<1x128xf32, #tpu.memory_space<hbm>> -> memref<128xf32, #tpu.memory_space<hbm>>
        tpu.wait_dma2 semaphore(%run_scoped3A : memref<!tpu.dma_semaphore, #tpu.memory_space<semaphore_mem>>) src(%arg21 : memref<128xf32, #tpu.memory_space<vmem>>) dst(%dma_wait3A_241 : memref<128xf32, #tpu.memory_space<hbm>>)
        tpu.yield
      }) : () -> ()
    } else {
    }
    return
  }
}

</mosaic_0001>

<sc_bundles>
// kernel: kernel.3.cloned.1.call-start
scs
__scs_entry_jumppad:
0x0: {  	(pc) =	sbr.rel $0x88, $3  }
0x1: {  	(tag) =	ssettag $0x0;
	lr =	simm.s32 $0x1  }
0x2: {  	[smem:$0x3F9E] =	sst lr;
	_ =	strace $0xD0000000  }
0x3: {  	_ = 	snop  }
0x4: {  	_ = 	snop  }
0x5: {  	_ = 	snop  }
0x6: {  	_ = 	snop  }
0x7: {  	_ = 	snop  }
__scs_overlays_trampoline_lowered:
0x8: {  	[smem:$0x3FAD] =	sst s0  }
0x9: {  	[smem:$0x3FAE] =	sst s1  }
0xa: {  	[smem:$0x3FAF] =	sst s2  }
0xb: {  	[smem:$0x3FB0] =	sst s3  }
0xc: {  	[smem:$0x3FB1] =	sst s4  }
0xd: {  	[smem:$0x3FB2] =	sst s5  }
0xe: {  	[smem:$0x3FB3] =	sst s6  }
0xf: {  	[smem:$0x3FB4] =	sst s7  }
0x10: {  	[smem:$0x3FB5] =	sst s8  }
0x11: {  	[smem:$0x3FB6] =	sst s9;
	s0 =	simm.s32 @!p0 $0x0  }
0x12: {  	s1 =	sld [smem:$0x3F9C];
	s0 =	simm.s32 @p0 $0x1  }
0x13: {  	[smem:$0x3FB7] =	sst s0;
	s0 =	simm.s32 @!p1 $0x0  }
0x14: {  	s2 =	sld [smem:$0x3F9B];
	s0 =	simm.s32 @p1 $0x1  }
0x15: {  	[smem:$0x3FB8] =	sst s0;
	s0 =	simm.s32 @!p2 $0x0  }
0x16: {  	s3 =	sld [smem:$0x3FDB];
	s0 =	simm.s32 @p2 $0x1  }
0x17: {  	s4 =	simm.s32 $0x1BF5;
	[smem:$0x3FBA] =	sst s0  }
0x18: {  	s0 =	sld [smem:$0x3F9D];
	_ =	swait.ge [sflag:s4], $0x0  }
0x19: {  	s7 =	sld [smem:$0x3F9E]  }
0x1a: {  	s8 =	sadd.s32 $0xFFFFE003, lr  }
0x1b: {  	s9 =	sadd.s32 $0xFFFFFEF7, lr;
	s5 =	simm.s32 $0xFFFFFFFF;
	p2 =	slt.u32 s8, $0xFFFFF086  }
0x1c: {  	p1 =	slt.u32 s9, $0xF7A;
	s5 =	simm.s32 @!p2 $0x0  }
0x1d: {  	s5 =	simm.s32 @p1 $0x1;
	p0 =	seq.s32 s7, s2  }
0x1e: {  	s7 =	smul.u32 @!p0 $0xF7A, s2;
	p2 =	seq.s32 @!p0 s5, $0x0  }
0x1f: {  	s9 =	smul.u32 $0xF7A, s1;
	s8 =	simm.s32 @!p0 $0x1BF5;
	p2 =	por !p2, p0  }
0x20: {  	[sflag:s8] =	ssyncset.s32 @!p0 $0xFFFFF086;
	s6 =	sadd.s32 @!p0 s3, s7;
	s7 =	simm.s32 @!p0 $0x108  }
0x21: {  	s3 =	sadd.s32 s3, s9;
	s6 =	sadd.s32 @!p0 $0x88, s6;
	s7 =	simm.s32 @p2 $0x1082  }
0x22: {  	[simem:s7], [sflag:s8] =	dma.local @!p0 [hbm:s6], $0xF7A  }
0x23: {  	s9 =	sor.u32 $0xD0000000, s2;
	s6 =	simm.s32 $0x108;
	_ =	swait.ge @!p0 [sflag:s8], $0x0  }
0x24: {  	s3 =	sadd.s32 $0x88, s3;
	s6 =	simm.s32 @!p1 $0x1082;
	[sflag:s4] =	ssyncset.s32 $0xFFFFF086  }
0x25: {  	[simem:s6], [sflag:s4] =	dma.local [hbm:s3], $0xF7A  }
0x26: {  	[smem:$0x3F9E] =	sst s1;
	(tag) =	ssettag s2;
	_ =	strace s9  }
0x27: {  	s1 =	sld [smem:$0x3FAE]  }
0x28: {  	s2 =	sld [smem:$0x3FAF]  }
0x29: {  	s4 =	sld [smem:$0x3FB1]  }
0x2a: {  	p0 =	seq.s32 s5, $0x0;
	s5 =	sld [smem:$0x3FB2]  }
0x2b: {  	s6 =	sld [smem:$0x3FB3]  }
0x2c: {  	s7 =	sld [smem:$0x3FB4]  }
0x2d: {  	s3 =	simm.s32 $0x108;
	s8 =	sld [smem:$0x3FB5]  }
0x2e: {  	s3 =	simm.s32 @!p0 $0x1082;
	s9 =	sld [smem:$0x3FB6]  }
0x2f: {  	lr =	sadd.s32 s0, s3;
	s0 =	sld [smem:$0x3FAD]  }
0x30: {  	s3 =	sld [smem:$0x3FB0]  }
0x31: {  	[smem:$0x3FB9] =	sst s10  }
0x32: {  	s10 =	sld [smem:$0x3FB7];
	_ =	sdelay $0x3  }
0x33: {  	p0 =	seq.s32 s10, $0x1;
	s10 =	sld [smem:$0x3FB9];
	_ =	sdelay $0x3  }
0x34: {  	[smem:$0x3FB9] =	sst s10  }
0x35: {  	s10 =	sld [smem:$0x3FB8];
	_ =	sdelay $0x3  }
0x36: {  	p1 =	seq.s32 s10, $0x1;
	s10 =	sld [smem:$0x3FB9];
	_ =	sdelay $0x3  }
0x37: {  	[smem:$0x3FB9] =	sst s10  }
0x38: {  	s10 =	sld [smem:$0x3FBA]  }
0x39: {  	_ = 	snop;
	(pc) =	sbr.ind lr, $3  }
0x3a: {  	_ = 	snop  }
0x3b: {  	_ = 	snop  }
0x3c: {  	p2 =	seq.s32 s10, $0x1;
	s10 =	sld [smem:$0x3FB9]  }
0x3d: {  	_ =	shalt  }
0x3e: {  	_ =	shalt  }
0x3f: {  	_ =	shalt  }
0x40: {  	_ =	shalt  }
0x41: {  	_ =	shalt  }
0x42: {  	_ =	shalt  }
0x43: {  	_ =	shalt  }
0x44: {  	_ =	shalt  }
0x45: {  	_ =	shalt  }
0x46: {  	_ =	shalt  }
0x47: {  	_ =	shalt  }
0x48: {  	_ =	shalt  }
0x49: {  	_ =	shalt  }
0x4a: {  	_ =	shalt  }
0x4b: {  	_ =	shalt  }
0x4c: {  	_ =	shalt  }
0x4d: {  	_ =	shalt  }
0x4e: {  	_ =	shalt  }
0x4f: {  	_ =	shalt  }
0x50: {  	_ =	shalt  }
0x51: {  	_ =	shalt  }
0x52: {  	_ =	shalt  }
0x53: {  	_ =	shalt  }
0x54: {  	_ =	shalt  }
0x55: {  	_ =	shalt  }
0x56: {  	_ =	shalt  }
0x57: {  	_ =	shalt  }
0x58: {  	_ =	shalt  }
0x59: {  	_ =	shalt  }
0x5a: {  	_ =	shalt  }
0x5b: {  	_ =	shalt  }
0x5c: {  	_ =	shalt  }
0x5d: {  	_ =	shalt  }
0x5e: {  	_ =	shalt  }
0x5f: {  	_ =	shalt  }
0x60: {  	_ =	shalt  }
0x61: {  	_ =	shalt  }
0x62: {  	_ =	shalt  }
0x63: {  	_ =	shalt  }
0x64: {  	_ =	shalt  }
0x65: {  	_ =	shalt  }
0x66: {  	_ =	shalt  }
0x67: {  	_ =	shalt  }
0x68: {  	_ =	shalt  }
0x69: {  	_ =	shalt  }
0x6a: {  	_ =	shalt  }
0x6b: {  	_ =	shalt  }
0x6c: {  	_ =	shalt  }
0x6d: {  	_ =	shalt  }
0x6e: {  	_ =	shalt  }
0x6f: {  	_ =	shalt  }
0x70: {  	_ =	shalt  }
0x71: {  	_ =	shalt  }
0x72: {  	_ =	shalt  }
0x73: {  	_ =	shalt  }
0x74: {  	_ =	shalt  }
0x75: {  	_ =	shalt  }
0x76: {  	_ =	shalt  }
0x77: {  	_ =	shalt  }
0x78: {  	_ =	shalt  }
0x79: {  	_ =	shalt  }
0x7a: {  	_ =	shalt  }
0x7b: {  	_ =	shalt  }
0x7c: {  	_ =	shalt  }
0x7d: {  	_ =	shalt  }
0x7e: {  	_ =	shalt  }
0x7f: {  	_ =	shalt  }
0x80: {  	_ =	shalt  }
0x81: {  	_ =	shalt  }
0x82: {  	_ =	shalt  }
0x83: {  	_ =	shalt  }
0x84: {  	_ =	shalt  }
0x85: {  	_ =	shalt  }
0x86: {  	_ =	shalt  }
0x87: {  	_ =	shalt  }
.Lfunc_end0:
.L_simem_size_0:
called_computation_lowered:
.L_overlay_start_0:
0x88: {  	s0 =	sld [smem:$0x3FD9]  }
0x89: {  	s1 =	sld [smem:$0x3FFE];
	_ =	sdelay $0x3  }
0x8a: {  	s0 =	sadd.s32 s1, s0  }
0x8b: {  	[smem:$0x3FC5] =	sst s0  }
0x8c: {  	_ = 	snop  }
0x8d: {  	s0 =	sld [smem:$0x3FD0];
	(tm) =	ssettm $0x1  }
0x8e: {  	s16 =	sld [smem:$0x3FFB];
	_ =	sdelay $0x3  }
0x8f: {  	_ =	strace s16  }
0x90: {  	s1 =	sld [smem:$0x3FFC];
	_ =	sdelay $0x3  }
0x91: {  	_ =	strace s1  }
0x92: {  	s1 =	sld [smem:$0x3FFD];
	_ =	sdelay $0x3  }
0x93: {  	_ =	strace s1  }
0x94: {  	_ =	strace $0x8FFFFFFF  }
0x95: {  	s17 =	sld [smem:$0x3FDB];
	_ =	sdelay $0x1  }
0x96: {  	s2 =	simm.s32 $_scs_section_size  }
0x97: {  	s3 =	simm.s32 $_size__tile_overlayer_lowered;
	s4 =	simm.s32 $_tile_overlayer_lowered  }
0x98: {  	s20 =	simm.s32 $0x1BFF;
	s19 =	sshll.u32 s4, $0x1;
	s1 =	sadd.s32 s2, s17  }
0x99: {  	s5 =	simm.s32 $0x0;
	s18 =	sshll.u32 s3, $0x1;
	s3 =	sadd.s32 s19, s1  }
0x9a: {  	[timem:s5], [sflag:s20] =	dma.local [hbm:s3], s18  }
0x9b: {  	_ =	swait.ge [sflag:s20], s18  }
0x9c: {  	s2 =	ssub.s32 $0x0, s18;
	[sflag:s20] =	ssyncset.done $0x0  }
0x9d: {  	[sflag:s20] =	ssyncadd.s32 s2;
	_ =	sdelay $0x1  }
0x9e: {  	s21 =	simm.s32 $0x1B8B  }
0x9f: {  	_ =	swait.ge [sflag:s21], $0x1  }
0xa0: {  	[sflag:s21] =	ssyncset.done $0x0  }
0xa1: {  	s23 =	simm.s32 $0x1B8E;
	s22 =	sld [smem:$0x3FFE];
	[sflag:s21] =	ssyncadd.s32 $0xFFFFFFFF  }
0xa2: {  	s24 =	simm.s32 $execute0_lowered;
	[smem:$0x3FD2] =	sst s23  }
0xa3: {  	s3 =	sshll.u32 s24, $0x1;
	_ =	strace $0x80000046;
	[dreg:$0x1] =	wrdreg $0xFFFFFFFF  }
0xa4: {  	s25 =	simm.s32 $_size_execute0_lowered;
	s1 =	sadd.s32 s1, s3;
	[dreg:$0x0] =	wrdreg $0x0  }
0xa5: {  	s3 =	sshll.u32 s25, $0x1;
	[dreg:$0x2] =	wrdreg s1  }
0xa6: {  	[dreg:$0x3] =	wrdreg s3  }
0xa7: {  	[dreg:$0x4] =	wrdreg $0xC0  }
0xa8: {  	_ =	task [dreg:s5], $0x5FFFF  }
0xa9: {  	[dreg:$0x1] =	wrdreg $0xFFFFFFFF  }
0xaa: {  	[dreg:$0x0] =	wrdreg $0x60  }
0xab: {  	[dreg:$0x2] =	wrdreg s22  }
0xac: {  	[dreg:$0x3] =	wrdreg s0  }
0xad: {  	[dreg:$0x4] =	wrdreg $0xDC000  }
0xae: {  	[dreg:$0x5] =	wrdreg $0x9  }
0xaf: {  	_ =	task.clear_ibuf [dreg:s5], $0x6FFFF;
	_ =	strace $0x90000046  }
0xb0: {  	s26 =	simm.s32 $0x9;
	_ =	strace $0x80000048  }
0xb1: {  	_ =	swait.ge [sflag:s26], $0x1  }
0xb2: {  	[sflag:s26] =	ssyncadd.s32 $0xFFFFFFFF  }
0xb3: {  	_ =	strace $0x90000048  }
0xb4: {  	_ =	sfence  }
0xb5: {  	s28 =	sld [smem:$0x0];
	_ =	sdelay $0x1  }
0xb6: {  	s29 =	srdreg.scid  }
0xb7: {  	s30 =	sshll.u32 s29, $0xD;
	s31 =	sshrl.u32 s29, $0x2  }
0xb8: {  	s2 =	sand.u32 $0x4000, s30;
	s1 =	sand.u32 $0x1, s29;
	s0 =	sadd.s32 s31, s28  }
0xb9: {  	s1 =	sor.u32 s2, s1;
	s0 =	sshll.u32 s0, $0x11  }
0xba: {  	s0 =	sor.u32 s0, s1  }
0xbb: {  	s0 =	sadd.s32 $0x8F2B, s0  }
0xbc: {  	[sflag:s0] =	ssyncadd.remote.s32 $0x1  }
0xbd: {  	_ =	sfence.sel $0xFFFF  }
0xbe: {  	[dreg:$0x0] =	wrdreg $0xFFFFFFFF;
	(pc) =	sbr.abs _section_cstart, $3  }
0xbf: {  	[dreg:$0x1] =	wrdreg $0xFFFFFFFF  }
0xc0: {  	_ =	task.clear_ibuf [dreg:s5], $0x2FFFF;
	_ =	strace $0x9FFFFFFF  }
0xc1: {  	(tm) =	ssettm $0x7FFFFFFF  }
tec
execute0_lowered:
.L_overlay_start_1:
0x0: {  	(tag) =	ssettag $0x1  }
0x1: {  	s2 =	rddreg [dreg:$0x0];
	s0 =	stileid.u32  }
0x2: {  	s3 =	rddreg [dreg:$0x1];
	s7 =	smul.u32 $0x1880, s0  }
0x3: {  	s6 =	rddreg [dreg:$0x2]  }
0x4: {  	s1 =	rddreg [dreg:$0x3];
	s4 =	simm.s32 $0x0;
	s5 =	sshrl.u32 s7, $0x3  }
0x5: {  	[smem:$0x7FF] =	sst s4;
	s5 =	sadd.s32 s5, s2  }
0x6: {  	s31 =	simm.s32 $0x2;
	_ =	strace $0x80000047;
	s5 =	sadd.s32 $0xDC400, s5  }
0x7: {  	[tilespmem:s4], [sflag:$0x2] =	stream.linear.gather [hbm4b:s5+s4], $0x1880, $0x38;
	[tilespmem:$0xDD00] =	vst v63  }
0x8: {  	_ =	swait.ge [sflag:s31], $0x1880  }
0x9: {  	[sflag:s31] =	ssyncset.done $0x0  }
0xa: {  	s8 =	simm.s32 $0xCB00;
	[sflag:s31] =	ssyncadd.s32 $0xFFFFE780  }
0xb: {  	[tilespmem:s8], [sflag:$0x2] =	stream.linear.gather [hbm4b:s3+s4], $0x80, $0x38;
	[tilespmem:$0xDD00] =	vst v63  }
0xc: {  	_ =	swait.ge [sflag:s31], $0x80  }
0xd: {  	[sflag:s31] =	ssyncset.done $0x0  }
0xe: {  	s17 =	simm.s32 $0x0;
	[sflag:s31] =	ssyncadd.s32 $0xFFFFFF80  }
0xf: {  	v0 =	vimm.f32 $-Inf;
	s3 =	sadd.s32 $0x400, s2;
	s2 =	sadd.s32 $0xDF600, s2;
	s4 =	simm.s32 $0x40;
	v1 =	vld [tilespmem:s17+$0x0]  }
.LBB2_1:
0x10: {  	_ =	sdelay $0x1  }
0x11: {  	p0 =	sne.s32 s4, $0x61C0  }
.Ltmp0:
0x12: {  	_ = 	snop;
	(pc) =	sbr.rel @p0 .LBB2_1-.Ltmp0, $4  }
0x13: {  	v2 =	vand.u32 $0x7FFFFFFF, v1  }
0x14: {  	vm0 =	vlt.s32 v1, $0x0;
	v3 =	vxor.u32 $0xFFFFFFFF, v1;
	v2 =	vxor.u32 $0x80000000, v2  }
0x15: {  	s5 =	sshra.s32 s4, $0x2;
	v2 =	vsel vm0, v3, v2  }
0x16: {  	s4 =	sadd.s32 $0x40, s4;
	v0 =	vmax.f32 v0, v1;
	v1 =	vld [tilespmem:s5+$0x0];
	[tilespmem:s17+$0x1880] =	vst v2;
	s17 =	smov.u32 s5  }
0x17: {  	_ =	sdelay $0x1  }
0x18: {  	s4 =	sshll.u32 s0, $0x8;
	s31 =	sshll.u32 s0, $0x7;
	s9 =	simm.s32 $0x0  }
0x19: {  	s8 =	simm.s32 $0x40;
	s10 =	simm.s32 $0x3100;
	v3 =	vlaneseq.u32;
	s11 =	simm.s32 $0x80  }
0x1a: {  	s12 =	simm.s32 $0x400;
	s13 =	simm.s32 $0x2;
	s14 =	simm.s32 $0xCC00;
	v3 =	vmul.u32 $0xFFFFFFFF, v3;
	v2 =	vand.u32 $0x7FFFFFFF, v1  }
0x1b: {  	s15 =	simm.s32 $0x3A00;
	s16 =	simm.s32 $0x3200;
	s5 =	sand.u32 $0x800, s4;
	vm0 =	vlt.s32 v1, $0x0;
	v4 =	vxor.u32 $0xFFFFFFFF, v1;
	v2 =	vxor.u32 $0x80000000, v2  }
0x1c: {  	s18 =	simm.s32 $0xFF000000;
	s4 =	sand.u32 $0x380, s31;
	s5 =	sadd.s32 s5, s6;
	v3 =	vadd.s32 $0xF, v3;
	v2 =	vsel vm0, v4, v2  }
0x1d: {  	s19 =	simm.s32 $0x0;
	s5 =	sadd.s32 s4, s5;
	v0 =	vmax.f32 v0, v1;
	v1 =	vimm.s32 $0x0;
	[tilespmem:s17+$0x1880] =	vst v2;
	v2 =	vimm.s32 $0x1;
	s17 =	simm.s32 $0x0  }
.LBB2_3:
0x1e: {  	[tilespmem:$0x3100] =	vst v1  }
0x1f: {  	[tilespmem:$0x3110] =	vst v1  }
0x20: {  	[tilespmem:$0x3120] =	vst v1  }
0x21: {  	[tilespmem:$0x3130] =	vst v1  }
0x22: {  	[tilespmem:$0x3140] =	vst v1  }
0x23: {  	[tilespmem:$0x3150] =	vst v1  }
0x24: {  	[tilespmem:$0x3160] =	vst v1  }
0x25: {  	[tilespmem:$0x3170] =	vst v1  }
0x26: {  	[tilespmem:$0x3180] =	vst v1  }
0x27: {  	[tilespmem:$0x3190] =	vst v1  }
0x28: {  	[tilespmem:$0x31A0] =	vst v1  }
0x29: {  	[tilespmem:$0x31B0] =	vst v1  }
0x2a: {  	[tilespmem:$0x31C0] =	vst v1  }
0x2b: {  	[tilespmem:$0x31D0] =	vst v1;
	s20 =	sshll.u32 s19, $0x3  }
0x2c: {  	[tilespmem:$0x31E0] =	vst v1;
	s21 =	ssub.s32 $0x18, s20  }
0x2d: {  	[tilespmem:$0x31F0] =	vst v1;
	v4 =	vmov s9;
	v5 =	vmov s17;
	s23 =	simm.s32 $0x0;
	s22 =	simm.s32 $0x40;
	v6 =	vmov s21  }
.LBB2_4:
0x2e: {  	p0 =	sne.s32 s22, $0x61C0;
	v7 =	vld [tilespmem:s23+$0x1880];
	_ =	sdelay $0x4  }
0x2f: {  	v8 =	vand.u32 v4, v7  }
0x30: {  	v7 =	vshrl.u32 v7, v6;
	vm0 =	veq.s32 v8, v5  }
0x31: {  	v7 =	vand.u32 $0xFF, v7  }
.Ltmp1:
0x32: {  	(pc) =	sbr.rel @p0 .LBB2_4-.Ltmp1, $2  }
0x33: {  	_ =	sdelay $0x2  }
0x34: {  	s23 =	sshra.s32 s22, $0x2;
	s22 =	sadd.s32 $0x40, s22;
	[tilespmem:v7+s10+$0x0] =	vst.idx.add.s32.msk vm0, v2  }
0x35: {  	v7 =	vld [tilespmem:s23+$0x1880];
	_ =	sdelay $0x4  }
0x36: {  	v4 =	vand.u32 v4, v7  }
0x37: {  	vm0 =	veq.s32 v4, v5;
	v4 =	vshrl.u32 v7, v6  }
0x38: {  	v4 =	vand.u32 $0xFF, v4;
	_ =	sdelay $0x4  }
0x39: {  	[tilespmem:v4+s10+$0x0] =	vst.idx.add.s32.msk vm0, v2  }
0x3a: {  	[spmem:s5] =	stream.strided.scatter [tilespmem:s10], [sflag:$0x2], $0x100, s12, s11, $0x38;
	[tilespmem:$0xDD00] =	vst v63  }
0x3b: {  	_ =	swait.ge [sflag:s13], $0x100  }
0x3c: {  	[sflag:s13] =	ssyncset.done $0x0  }
0x3d: {  	[sflag:s13] =	ssyncadd.s32 $0xFFFFFF00  }
0x3e: {  	[bflag:$0x0] =	sbarrier.arrive $0xFFFF  }
0x3f: {  	[tilespmem:s14], [sflag:$0x2] =	stream.linear.gather [spmem:s6], $0x1000, $0x38;
	[tilespmem:$0xDD00] =	vst v63  }
0x40: {  	_ =	swait.ge [sflag:s13], $0x1000  }
0x41: {  	s22 =	simm.s32 $0x0;
	[sflag:s13] =	ssyncset.done $0x0  }
0x42: {  	s23 =	simm.s32 $0x0;
	s24 =	simm.s32 $0x0;
	v5 =	vimm.s32 $0x0;
	v4 =	vmov s8;
	[sflag:s13] =	ssyncadd.s32 $0xFFFFF000  }
.LBB2_6:
0x43: {  	s25 =	sxor.u32 $0xF, s24  }
0x44: {  	s26 =	sshll.u32 s25, $0x4  }
0x45: {  	s26 =	sand.u32 $0x70, s26  }
0x46: {  	s25 =	sshll.u32 s25, $0x7;
	v6 =	vmov s26  }
0x47: {  	s31 =	sand.u32 $0x400, s25  }
0x48: {  	s28 =	sand.u32 $0x800, s22;
	s26 =	sadd.s32 $0xCC00, s31  }
0x49: {  	s29 =	sand.u32 $0x380, s22;
	s28 =	sadd.s32 s28, s26  }
0x4a: {  	s29 =	sadd.s32 s29, s28  }
0x4b: {  	v7 =	vld.idx.msk [tilespmem:v6+s29+$0x0 ss:$0x1], $0xffff  }
0x4c: {  	v8 =	vimm.s32 $0x0;
	s28 =	simm.s32 $0x100;
	s29 =	simm.s32 $0x80  }
.LBB2_7:
0x4d: {  	s30 =	sand.u32 $0x800, s28;
	p0 =	sne.s32 s28, $0xF00;
	s28 =	sadd.s32 $0x100, s28  }
.Ltmp2:
0x4e: {  	s31 =	sand.u32 $0x380, s29;
	s30 =	sadd.s32 s30, s26;
	(pc) =	sbr.rel @p0 .LBB2_7-.Ltmp2, $3  }
0x4f: {  	s30 =	sadd.s32 s31, s30  }
0x50: {  	v8 =	vadd.s32 v8, v7;
	v7 =	vld.idx.msk [tilespmem:v6+s30+$0x0 ss:$0x1], $0xffff;
	_ =	sdelay $0x1  }
0x51: {  	s29 =	sadd.s32 $0x80, s29  }
0x52: {  	_ =	sdelay $0x1  }
0x53: {  	v6 =	vadd.s32 v8, v7  }
0x54: {  	v7 =	vperm.xlane v6, v3;
	_ =	sdelay $0x1  }
0x55: {  	(xrf0) =	vadd.scan.msk.s32 $0xffff, v7  }
0x56: {  	(xrf0) =	vadd.scan.msk.s32 $0xffff, v6;
	_ =	sdelay $0x4  }
0x57: {  	v7, _, _ =	vpop (xrf0)  }
0x58: {  	v62, _, _ =	vpop (xrf0)  }
0x59: {  	(v2sf) =	vpush v62, $0xF;
	_ =	sdelay $0x9  }
0x5a: {  	s24 =	sadd.s32 $0x1, s24;
	v7 =	vperm.xlane v7, v3  }
0x5b: {  	p0 =	sne.s32 s24, $0x10  }
.Ltmp3:
0x5c: {  	v7 =	vadd.s32 s23, v7;
	(pc) =	sbr.rel @p0 .LBB2_6-.Ltmp3, $4  }
0x5d: {  	vm0 =	vge.s32 v7, v4  }
0x5e: {  	v63 =	vmpcnt.ones.xlane vm0  }
0x5f: {  	[tilespmem:s25+$0x3200] =	vst v6;
	s26 =	spop (v2sf)  }
0x60: {  	[tilespmem:s25+$0x3A00] =	vst v7;
	v5 =	vadd.s32 v5, v63;
	s23 =	sadd.s32 s23, s26  }
0x61: {  	v4 =	vxor.u32 $0x80000000, v5  }
0x62: {  	(xrf0) =	vmax.scan.msk.u32 $0xffff, v4;
	_ =	sdelay $0x5  }
0x63: {  	v4, _, _ =	vpop (xrf0)  }
0x64: {  	(v2sf) =	vpush v4, $0xF;
	_ =	sdelay $0xe  }
0x65: {  	s22 =	spop (v2sf)  }
0x66: {  	s22 =	sadd.s32 $0x7FFFFFFF, s22  }
0x67: {  	s23 =	sshll.u32 s22, $0x3  }
0x68: {  	s24 =	sand.u32 $0xF, s22;
	s23 =	sand.u32 $0xFFFFFF80, s23  }
0x69: {  	s23 =	sor.u32 s24, s23  }
0x6a: {  	v4 =	vmov s23;
	_ =	sdelay $0x4  }
0x6b: {  	v5 =	vld.idx.msk [tilespmem:v4+s15+$0x0], $0xffff;
	_ =	sdelay $0x1  }
0x6c: {  	v4 =	vld.idx.msk [tilespmem:v4+s16+$0x0], $0xffff;
	_ =	sdelay $0x2  }
0x6d: {  	v5 =	vxor.u32 $0x80000000, v5  }
0x6e: {  	(xrf0) =	vmax.scan.msk.u32 $0xffff, v5  }
0x6f: {  	v4 =	vxor.u32 $0x80000000, v4  }
0x70: {  	(xrf0) =	vmax.scan.msk.u32 $0xffff, v4;
	_ =	sdelay $0x3  }
0x71: {  	v4, _, _ =	vpop (xrf0)  }
0x72: {  	(v2sf) =	vpush v4, $0xF  }
0x73: {  	v4, _, _ =	vpop (xrf0)  }
0x74: {  	(v2sf) =	vpush v4, $0xF;
	_ =	sdelay $0xa  }
0x75: {  	s19 =	sadd.s32 $0x1, s19  }
0x76: {  	p0 =	seq.s32 s19, $0x4  }
.Ltmp4:
0x77: {  	s30 =	spop (v2sf);
	(pc) =	sbr.rel @!p0 .LBB2_3-.Ltmp4, $4  }
0x78: {  	s23 =	sxor.u32 $0x7FFFFFFF, s30  }
0x79: {  	s20 =	sshrl.u32 s18, s20;
	s31 =	spop (v2sf);
	s8 =	sadd.s32 s8, s23  }
0x7a: {  	s21 =	sshll.u32 s22, s21;
	[bflag:$0x0] =	sbarrier.arrive $0xFFFF;
	s8 =	sadd.s32 s31, s8  }
0x7b: {  	s9 =	sor.u32 s20, s9;
	s17 =	sor.u32 s17, s21;
	s8 =	sadd.s32 $0x80000001, s8  }
0x7c: {  	s9 =	simm.s32 $0x0  }
0x7d: {  	v1 =	vmov s17;
	v5 =	vld [tilespmem:s9+$0x1880]  }
0x7e: {  	v2 =	vimm.s32 $0x0;
	s5 =	simm.s32 $0x40;
	v4 =	vimm.s32 $0x0;
	v3 =	vimm.s32 $0x0  }
.LBB2_11:
0x7f: {  	p0 =	sne.s32 s5, $0x61C0  }
.Ltmp5:
0x80: {  	_ = 	snop;
	(pc) =	sbr.rel @p0 .LBB2_11-.Ltmp5, $4  }
0x81: {  	_ = 	snop  }
0x82: {  	s9 =	sshra.s32 s5, $0x2;
	s5 =	sadd.s32 $0x40, s5;
	vm0 =	vgt.u32 v5, v1;
	vm1 =	veq.s32 v5, v1  }
0x83: {  	v5 =	vld [tilespmem:s9+$0x1880];
	v6 =	vsel vm0, $0x1, v2;
	v7 =	vsel vm1, $0x1, v2  }
0x84: {  	v4 =	vadd.s32 v6, v4;
	v3 =	vadd.s32 v7, v3  }
0x85: {  	_ =	sdelay $0x2  }
0x86: {  	vm0 =	vgt.u32 v5, v1  }
0x87: {  	vm1 =	veq.s32 v5, v1;
	v5 =	vsel vm0, $0x1, v2  }
0x88: {  	(xrf0) =	vmax.scan.msk.f32 $0xffff, v0;
	v2 =	vsel vm1, $0x1, v2;
	v4 =	vadd.s32 v5, v4  }
0x89: {  	v0 =	vadd.s32 v2, v3;
	(xrf0) =	vadd.scan.msk.s32 $0xffff, v4  }
0x8a: {  	(xrf0) =	vadd.scan.msk.s32 $0xffff, v0;
	_ =	sdelay $0x3  }
0x8b: {  	v0, _, _ =	vpop (xrf0)  }
0x8c: {  	v2, _, _ =	vpop (xrf0)  }
0x8d: {  	vm11 =	vmmov $0x1;
	v0 =	vbroadcast v0, $0xF;
	v3, _, _ =	vpop (xrf0);
	v2 =	vbroadcast v2, $0xF  }
0x8e: {  	vm2 =	vcmask $0x300;
	vm0 =	vcmask $0xB08;
	v3 =	vbroadcast v3, $0xF  }
0x8f: {  	s5 =	sshrl.u32 s0, $0x3;
	vm1 =	vcmask $0x704;
	v0 =	vnsel vm0, $0x0, v0;
	v2 =	vnsel vm11, $0x0, v2  }
0x90: {  	s9 =	sshll.u32 s5, $0xB;
	v3 =	vnsel vm1, $0x0, v3;
	v0 =	vadd.s32 v0, v2;
	v2 =	vimm.s32 $0xB80  }
0x91: {  	s10 =	simm.s32 $0x80;
	s11 =	simm.s32 $0x400;
	s9 =	sadd.s32 s9, s6;
	v0 =	vadd.s32 v3, v0;
	v3 =	vsel vm2, $0x0, v2  }
0x92: {  	s12 =	simm.s32 $0x3100;
	s25 =	simm.s32 $0x2;
	vm3 =	vcmask $0xF0C;
	s9 =	sadd.s32 s4, s9;
	[tilespmem:$0x3100] =	vst v0;
	v3 =	vsel vm1, $0x80, v3  }
0x93: {  	vm4 =	vcmask $0x1310;
	vm5 =	vcmask $0x1714;
	[spmem:s9] =	stream.strided.scatter [tilespmem:s12], [sflag:$0x2], $0x100, s11, s10, $0x38;
	v3 =	vsel vm0, $0x100, v3;
	[tilespmem:$0xDD00] =	vst v63  }
0x94: {  	vm6 =	vcmask $0x1B18;
	v4 =	vimm.s32 $0xB81;
	_ =	swait.ge [sflag:s25], $0x100;
	v3 =	vsel vm3, $0x180, v3  }
0x95: {  	vm7 =	vcmask $0x1F1C;
	v4 =	vsel vm2, $0x1, v4;
	[sflag:s25] =	ssyncset.done $0x0;
	v3 =	vsel vm4, $0x200, v3  }
0x96: {  	v4 =	vsel vm1, $0x81, v4;
	v0 =	vimm.f32 $0.0e+00;
	[sflag:s25] =	ssyncadd.s32 $0xFFFFFF00;
	v3 =	vsel vm5, $0x280, v3  }
0x97: {  	v4 =	vsel vm0, $0x101, v4;
	v2 =	vimm.s32 $0x0;
	[tilespmem:$0x4800] =	vst v0;
	v3 =	vsel vm6, $0x300, v3  }
0x98: {  	vm8 =	vcmask $0x2320;
	v4 =	vsel vm3, $0x181, v4;
	[tilespmem:$0x4880] =	vst v2;
	v3 =	vsel vm7, $0x380, v3  }
0x99: {  	vm9 =	vcmask $0x2724;
	v4 =	vsel vm4, $0x201, v4;
	[tilespmem:$0x4810] =	vst v0;
	v3 =	vsel vm8, $0x800, v3  }
0x9a: {  	vm10 =	vcmask $0x2B28;
	v4 =	vsel vm5, $0x281, v4;
	[tilespmem:$0x4890] =	vst v2;
	v3 =	vsel vm9, $0x880, v3  }
0x9b: {  	v4 =	vsel vm6, $0x301, v4;
	vm11 =	vcmask $0x2F2C;
	[tilespmem:$0x4820] =	vst v0;
	v3 =	vsel vm10, $0x900, v3  }
0x9c: {  	vm12 =	vcmask $0x3330;
	v4 =	vsel vm7, $0x381, v4;
	[tilespmem:$0x48A0] =	vst v2;
	v3 =	vsel vm11, $0x980, v3  }
0x9d: {  	vm13 =	vcmask $0x3734;
	v4 =	vsel vm8, $0x801, v4;
	[tilespmem:$0x4830] =	vst v0;
	v0 =	vsel vm12, $0xA00, v3  }
0x9e: {  	vm14 =	vcmask $0x3B38;
	v4 =	vsel vm9, $0x881, v4;
	[tilespmem:$0x48B0] =	vst v2;
	v0 =	vsel vm13, $0xA80, v0  }
0x9f: {  	s26 =	simm.s32 $0xCC00;
	[bflag:$0x0] =	sbarrier.arrive $0xFFFF;
	v3 =	vsel vm10, $0x901, v4;
	v0 =	vsel vm14, $0xB00, v0  }
0xa0: {  	[tilespmem:s26], [sflag:$0x2] =	stream.linear.gather [spmem:s6], $0x1000, $0x38;
	v3 =	vsel vm11, $0x981, v3;
	[tilespmem:$0xDD00] =	vst v63  }
0xa1: {  	_ =	swait.ge [sflag:s25], $0x1000;
	v3 =	vsel vm12, $0xA01, v3  }
0xa2: {  	[sflag:s25] =	ssyncset.done $0x0;
	v3 =	vsel vm13, $0xA81, v3  }
0xa3: {  	[sflag:s25] =	ssyncadd.s32 $0xFFFFF000;
	v3 =	vsel vm14, $0xB01, v3  }
0xa4: {  	v0 =	vld.idx.msk [tilespmem:v0+s26+$0x0], $0xffff;
	_ =	sdelay $0x3  }
0xa5: {  	v4 =	vld.idx.msk [tilespmem:v3+s26+$0x0], $0xffff  }
0xa6: {  	(xrf0) =	vadd.scan.msk.s32 $0xffff, v0;
	_ =	sdelay $0x2  }
0xa7: {  	v5 =	vmov s0  }
0xa8: {  	(xrf0) =	vadd.scan.msk.s32 $0xffff, v4  }
0xa9: {  	v3 =	vlaneseq.u32  }
0xaa: {  	vm15 =	veq.s32 v5, v3;
	v5, _, _ =	vpop (xrf0)  }
0xab: {  	v6 =	vnsel vm15, $0x0, v5;
	_ =	sdelay $0x2  }
0xac: {  	v0 =	vnsel vm15, $0x0, v0;
	(xrf0) =	vadd.scan.msk.s32 $0xffff, v6;
	v6, _, _ =	vpop (xrf0)  }
0xad: {  	(xrf0) =	vadd.scan.msk.s32 $0xffff, v0;
	v0 =	vnsel vm15, $0x0, v6  }
0xae: {  	(xrf0) =	vadd.scan.msk.s32 $0xffff, v0;
	v0 =	vnsel vm15, $0x0, v4;
	vm15 =	vmmov $0x7fff  }
0xaf: {  	(xrf0) =	vadd.scan.msk.s32 $0xffff, v0;
	v0 =	vsel vm15, $0x0, v5  }
0xb0: {  	(xrf0) =	vadd.scan.msk.s32 $0xffff, v0;
	_ =	sdelay $0x1  }
0xb1: {  	v0, _, _ =	vpop (xrf0)  }
0xb2: {  	v4 =	vimm.s32 $0xB82;
	v5, _, _ =	vpop (xrf0);
	(v2sf) =	vpush v0, $0xF  }
0xb3: {  	v4 =	vsel vm2, $0x2, v4;
	v0, _, _ =	vpop (xrf0);
	(v2sf) =	vpush v5, $0xF  }
0xb4: {  	v4 =	vsel vm1, $0x82, v4;
	(v2sf) =	vpush v0, $0xF;
	v0, _, _ =	vpop (xrf0)  }
0xb5: {  	v4 =	vsel vm0, $0x102, v4;
	(v2sf) =	vpush v0, $0xF;
	v0, _, _ =	vpop (xrf0)  }
0xb6: {  	v4 =	vsel vm3, $0x182, v4;
	(v2sf) =	vpush v0, $0xF  }
0xb7: {  	v4 =	vsel vm4, $0x202, v4  }
0xb8: {  	v0 =	vsel vm5, $0x282, v4  }
0xb9: {  	v0 =	vsel vm6, $0x302, v0  }
0xba: {  	v0 =	vsel vm7, $0x382, v0  }
0xbb: {  	v0 =	vsel vm8, $0x802, v0  }
0xbc: {  	v0 =	vsel vm9, $0x882, v0  }
0xbd: {  	v0 =	vsel vm10, $0x902, v0  }
0xbe: {  	v0 =	vsel vm11, $0x982, v0  }
0xbf: {  	v0 =	vsel vm12, $0xA02, v0  }
0xc0: {  	v0 =	vsel vm13, $0xA82, v0  }
0xc1: {  	v0 =	vsel vm14, $0xB02, v0;
	s28 =	spop (v2sf)  }
0xc2: {  	s29 =	spop (v2sf)  }
0xc3: {  	s13 =	spop (v2sf)  }
0xc4: {  	s14 =	spop (v2sf)  }
0xc5: {  	s30 =	spop (v2sf)  }
0xc6: {  	s15 =	simm.s32 $0x0;
	v0 =	vld.idx.msk [tilespmem:v0+s26+$0x0], $0xffff;
	[bflag:$0x0] =	sbarrier.arrive $0xFFFF  }
0xc7: {  	v4 =	vld [tilespmem:s15+$0x1880];
	_ =	sdelay $0x4  }
0xc8: {  	vm12 =	veq.s32 v4, v1  }
0xc9: {  	vm13 =	vgt.u32 v4, v1;
	v4 =	vsel vm12, $0x1, v2  }
0xca: {  	v5 =	vsel vm13, $0x1, v2;
	(xrf0) =	vadd.scan.msk.s32 $0xffff, v4  }
0xcb: {  	(xrf0) =	vadd.scan.msk.s32 $0xffff, v5  }
0xcc: {  	s10 =	simm.s32 $0x0;
	s12 =	ssub.s32 s28, s29  }
0xcd: {  	v6 =	vmov s10;
	v4 =	vmov s12  }
0xce: {  	s31 =	ssub.s32 s13, s14;
	v5 =	vadd.s32 $0xFFFFFFFF, v4;
	v4 =	vadd.s32 $0xFFFFFFFF, v6  }
0xcf: {  	s11 =	sadd.s32 s30, s31;
	v8 =	vbroadcast v4, $0x0;
	v6 =	vadd.s32 s10, v5  }
0xd0: {  	v7 =	vmov s11;
	v4 =	vmov s31;
	v9 =	vbroadcast v6, $0x0;
	v10, _, _ =	vpop (xrf0)  }
0xd1: {  	v6 =	vmov s8;
	v8 =	vadd.s32 v10, v8;
	v11, _, _ =	vpop (xrf0);
	(v2sf) =	vpush v10, $0xF  }
0xd2: {  	v12 =	vadd.s32 v4, v8;
	v9 =	vadd.s32 v9, v11;
	v8 =	vadd.s32 v7, v8  }
0xd3: {  	(v2sf) =	vpush v11, $0xF;
	vm14 =	vlt.s32 v12, v6;
	v8 =	vsel vm13, v9, v8  }
0xd4: {  	vm0 =	vmand vm12, vm14;
	vm15 =	vgt.s32 v8, $0x0  }
0xd5: {  	vm0 =	vmor vm13, vm0;
	v8 =	vnsel vm15, $0x0, v8  }
0xd6: {  	v62 =	vld [tilespmem:s15+$0x0];
	v8 =	vmin.u32 v8, $0x3F;
	_ =	sdelay $0x3  }
0xd7: {  	s11 =	simm.s32 $0x4800  }
0xd8: {  	v63 =	vor.u32 s7, v3;
	s8 =	simm.s32 $0x4880;
	[tilespmem:v8+s11+$0x0] =	vst.idx.msk vm0, v62  }
0xd9: {  	s14 =	simm.s32 $0x80;
	s13 =	simm.s32 $0x0;
	s12 =	simm.s32 $0x10;
	[tilespmem:v8+s8+$0x0] =	vst.idx.msk vm0, v63  }
.LBB2_13:
0xda: {  	p0 =	sne.s32 s14, $0x61C0;
	v8 =	vld [tilespmem:s12+$0x1880];
	_ =	sdelay $0x2  }
0xdb: {  	s15 =	spop (v2sf)  }
0xdc: {  	s10 =	sadd.s32 s10, s15  }
0xdd: {  	vm0 =	vgt.u32 v8, v1;
	vm1 =	veq.s32 v8, v1;
	v8 =	vmov s10;
	s15 =	spop (v2sf)  }
0xde: {  	v9 =	vsel vm1, $0x1, v2;
	v8 =	vadd.s32 $0xFFFFFFFF, v8;
	s13 =	sadd.s32 s13, s15  }
0xdf: {  	v10 =	vsel vm0, $0x1, v2;
	v8 =	vbroadcast v8, $0x0;
	(xrf0) =	vadd.scan.msk.s32 $0xffff, v9  }
0xe0: {  	(xrf0) =	vadd.scan.msk.s32 $0xffff, v10;
	_ =	sdelay $0x3  }
0xe1: {  	v9 =	vadd.s32 s13, v5  }
0xe2: {  	v9 =	vbroadcast v9, $0x0;
	v10, _, _ =	vpop (xrf0)  }
0xe3: {  	v8 =	vadd.s32 v10, v8;
	v11, _, _ =	vpop (xrf0);
	(v2sf) =	vpush v10, $0xF  }
0xe4: {  	v10 =	vadd.s32 v4, v8;
	v9 =	vadd.s32 v9, v11;
	v8 =	vadd.s32 v7, v8  }
0xe5: {  	vm2 =	vlt.s32 v10, v6;
	v8 =	vsel vm0, v9, v8;
	(v2sf) =	vpush v11, $0xF  }
0xe6: {  	vm1 =	vmand vm1, vm2;
	vm2 =	vgt.s32 v8, $0x0  }
0xe7: {  	vm0 =	vmor vm0, vm1;
	v8 =	vnsel vm2, $0x0, v8  }
0xe8: {  	v9 =	vld [tilespmem:s12+$0x0];
	v8 =	vmin.u32 v8, $0x3F;
	_ =	sdelay $0x1  }
.Ltmp6:
0xe9: {  	(pc) =	sbr.rel @p0 .LBB2_13-.Ltmp6, $4  }
0xea: {  	_ = 	snop  }
0xeb: {  	s7 =	sadd.s32 $0x10, s7  }
0xec: {  	v10 =	vor.u32 s7, v3;
	[tilespmem:v8+s11+$0x0] =	vst.idx.msk vm0, v9  }
0xed: {  	s12 =	sshra.s32 s14, $0x2;
	s14 =	sadd.s32 $0x40, s14;
	[tilespmem:v8+s8+$0x0] =	vst.idx.msk vm0, v10  }
0xee: {  	v8 =	vld [tilespmem:s12+$0x1880];
	_ =	sdelay $0x4  }
0xef: {  	vm0 =	veq.s32 v8, v1  }
0xf0: {  	vm1 =	vgt.u32 v8, v1;
	v1 =	vsel vm0, $0x1, v2  }
0xf1: {  	v2 =	vsel vm1, $0x1, v2;
	(xrf0) =	vadd.scan.msk.s32 $0xffff, v1  }
0xf2: {  	s14 =	spop (v2sf);
	(xrf0) =	vadd.scan.msk.s32 $0xffff, v2  }
0xf3: {  	s10 =	sadd.s32 s10, s14  }
0xf4: {  	s23 =	spop (v2sf);
	v1 =	vmov s10  }
0xf5: {  	s10 =	sadd.s32 s13, s23;
	v1 =	vadd.s32 $0xFFFFFFFF, v1  }
0xf6: {  	v2 =	vadd.s32 s10, v5;
	v1 =	vbroadcast v1, $0x0  }
0xf7: {  	v2 =	vbroadcast v2, $0x0;
	v5, _, _ =	vpop (xrf0)  }
0xf8: {  	v1 =	vadd.s32 v5, v1;
	v63, _, _ =	vpop (xrf0)  }
0xf9: {  	v4 =	vadd.s32 v4, v1;
	v2 =	vadd.s32 v2, v63;
	v1 =	vadd.s32 v7, v1  }
0xfa: {  	vm2 =	vlt.s32 v4, v6;
	v1 =	vsel vm1, v2, v1  }
0xfb: {  	vm0 =	vmand vm0, vm2;
	vm15 =	vgt.s32 v1, $0x0  }
0xfc: {  	vm0 =	vmor vm1, vm0;
	v1 =	vnsel vm15, $0x0, v1  }
0xfd: {  	v2 =	vld [tilespmem:s12+$0x0];
	v1 =	vmin.u32 v1, $0x3F;
	_ =	sdelay $0x3  }
0xfe: {  	s7 =	sadd.s32 $0x10, s7;
	(v2sf) =	vpush v5, $0xF  }
0xff: {  	v3 =	vor.u32 s7, v3;
	[tilespmem:v1+s11+$0x0] =	vst.idx.msk vm0, v2  }
0x100: {  	(v2sf) =	vpush v63, $0xF;
	[tilespmem:v1+s8+$0x0] =	vst.idx.msk vm0, v3  }
0x101: {  	v1 =	vld [tilespmem:$0x4800]  }
0x102: {  	v2 =	vld [tilespmem:$0x4880]  }
0x103: {  	v3 =	vld [tilespmem:$0x4810]  }
0x104: {  	v4 =	vld [tilespmem:$0x4890]  }
0x105: {  	v5 =	vld [tilespmem:$0x4820]  }
0x106: {  	[tilespmem:$0x3100] =	vst v1;
	v1 =	vld [tilespmem:$0x48A0]  }
0x107: {  	[tilespmem:$0x3140] =	vst v2;
	v2 =	vld [tilespmem:$0x4830]  }
0x108: {  	[tilespmem:$0x3110] =	vst v3;
	v3 =	vld [tilespmem:$0x48B0]  }
0x109: {  	[tilespmem:$0x3150] =	vst v4  }
0x10a: {  	[tilespmem:$0x3120] =	vst v5  }
0x10b: {  	[tilespmem:$0x3160] =	vst v1  }
0x10c: {  	s25 =	simm.s32 $0x400;
	[tilespmem:$0x3130] =	vst v2  }
0x10d: {  	s26 =	simm.s32 $0x3100;
	s7 =	simm.s32 $0x80;
	s24 =	spop (v2sf);
	[tilespmem:$0x3170] =	vst v3  }
0x10e: {  	[spmem:s9] =	stream.strided.scatter [tilespmem:s26], [sflag:$0x2], $0x100, s25, s7, $0x38;
	[tilespmem:$0xDD00] =	vst v63  }
0x10f: {  	s28 =	spop (v2sf);
	s7 =	simm.s32 $0x2  }
0x110: {  	_ =	swait.ge [sflag:s7], $0x100  }
0x111: {  	[sflag:s7] =	ssyncset.done $0x0  }
0x112: {  	[sflag:s7] =	ssyncadd.s32 $0xFFFFFF00  }
0x113: {  	s29 =	simm.s32 $0xCC00;
	[bflag:$0x0] =	sbarrier.arrive $0xFFFF  }
0x114: {  	[tilespmem:s29], [sflag:$0x2] =	stream.linear.gather [spmem:s6], $0x1000, $0x38;
	[tilespmem:$0xDD00] =	vst v63  }
0x115: {  	s6 =	simm.s32 $0x0;
	_ =	swait.ge [sflag:s7], $0x1000  }
0x116: {  	s30 =	sand.u32 $0x800, s6;
	s31 =	sand.u32 $0x380, s6;
	[sflag:s7] =	ssyncset.done $0x0  }
0x117: {  	s8 =	sor.u32 s31, s30;
	[sflag:s7] =	ssyncadd.s32 $0xFFFFF000  }
0x118: {  	v2 =	vld [tilespmem:s8+$0xCC40]  }
0x119: {  	v1 =	vimm.s32 $0x0;
	v3 =	vimm.s32 $0x0;
	s7 =	simm.s32 $0x100;
	v4 =	vld [tilespmem:s8+$0xCC00]  }
.LBB2_15:
0x11a: {  	p0 =	sne.s32 s7, $0xF00  }
.Ltmp7:
0x11b: {  	s8 =	sand.u32 $0x800, s7;
	s6 =	sadd.s32 $0x80, s6;
	(pc) =	sbr.rel @p0 .LBB2_15-.Ltmp7, $4  }
0x11c: {  	s7 =	sadd.s32 $0x100, s7;
	s9 =	sand.u32 $0x380, s6  }
0x11d: {  	s8 =	sor.u32 s9, s8;
	v1 =	vadd.s32 v1, v2  }
0x11e: {  	v2 =	vld [tilespmem:s8+$0xCC40];
	v3 =	vadd.s32 v3, v4  }
0x11f: {  	v4 =	vld [tilespmem:s8+$0xCC00]  }
0x120: {  	_ =	sdelay $0x2  }
0x121: {  	s6 =	simm.s32 $0x0;
	v1 =	vadd.s32 v1, v2  }
0x122: {  	s7 =	sand.u32 $0x800, s6;
	s8 =	sand.u32 $0x380, s6;
	v3 =	vadd.s32 v3, v4;
	[tilespmem:$0x4400] =	vst v1  }
0x123: {  	s8 =	sor.u32 s8, s7;
	[tilespmem:$0x4200] =	vst v3  }
0x124: {  	v2 =	vld [tilespmem:s8+$0xCC50]  }
0x125: {  	s7 =	simm.s32 $0x100;
	v1 =	vimm.s32 $0x0;
	v3 =	vimm.s32 $0x0;
	v4 =	vld [tilespmem:s8+$0xCC10]  }
.LBB2_17:
0x126: {  	p0 =	sne.s32 s7, $0xF00  }
.Ltmp8:
0x127: {  	s8 =	sand.u32 $0x800, s7;
	s6 =	sadd.s32 $0x80, s6;
	(pc) =	sbr.rel @p0 .LBB2_17-.Ltmp8, $4  }
0x128: {  	s7 =	sadd.s32 $0x100, s7;
	s9 =	sand.u32 $0x380, s6  }
0x129: {  	s8 =	sor.u32 s9, s8;
	v1 =	vadd.s32 v1, v2  }
0x12a: {  	v2 =	vld [tilespmem:s8+$0xCC50];
	v3 =	vadd.s32 v3, v4  }
0x12b: {  	v4 =	vld [tilespmem:s8+$0xCC10]  }
0x12c: {  	_ =	sdelay $0x2  }
0x12d: {  	s6 =	simm.s32 $0x0;
	v1 =	vadd.s32 v1, v2  }
0x12e: {  	s7 =	sand.u32 $0x800, s6;
	s8 =	sand.u32 $0x380, s6;
	v3 =	vadd.s32 v3, v4;
	[tilespmem:$0x4480] =	vst v1  }
0x12f: {  	s8 =	sor.u32 s8, s7;
	[tilespmem:$0x4280] =	vst v3  }
0x130: {  	v2 =	vld [tilespmem:s8+$0xCC60]  }
0x131: {  	s7 =	simm.s32 $0x100;
	v1 =	vimm.s32 $0x0;
	v3 =	vimm.s32 $0x0;
	v4 =	vld [tilespmem:s8+$0xCC20]  }
.LBB2_19:
0x132: {  	p0 =	sne.s32 s7, $0xF00  }
.Ltmp9:
0x133: {  	s8 =	sand.u32 $0x800, s7;
	s6 =	sadd.s32 $0x80, s6;
	(pc) =	sbr.rel @p0 .LBB2_19-.Ltmp9, $4  }
0x134: {  	s7 =	sadd.s32 $0x100, s7;
	s9 =	sand.u32 $0x380, s6  }
0x135: {  	s8 =	sor.u32 s9, s8;
	v1 =	vadd.s32 v1, v2  }
0x136: {  	v2 =	vld [tilespmem:s8+$0xCC60];
	v3 =	vadd.s32 v3, v4  }
0x137: {  	v4 =	vld [tilespmem:s8+$0xCC20]  }
0x138: {  	_ =	sdelay $0x2  }
0x139: {  	s6 =	simm.s32 $0x0;
	v1 =	vadd.s32 v1, v2  }
0x13a: {  	s7 =	sand.u32 $0x800, s6;
	s8 =	sand.u32 $0x380, s6;
	v3 =	vadd.s32 v3, v4;
	[tilespmem:$0x4500] =	vst v1  }
0x13b: {  	s8 =	sor.u32 s8, s7;
	[tilespmem:$0x4300] =	vst v3  }
0x13c: {  	v2 =	vld [tilespmem:s8+$0xCC70]  }
0x13d: {  	s7 =	simm.s32 $0x100;
	v1 =	vimm.s32 $0x0;
	v3 =	vimm.s32 $0x0;
	v4 =	vld [tilespmem:s8+$0xCC30]  }
.LBB2_21:
0x13e: {  	p0 =	sne.s32 s7, $0xF00  }
.Ltmp10:
0x13f: {  	s8 =	sand.u32 $0x800, s7;
	s6 =	sadd.s32 $0x80, s6;
	(pc) =	sbr.rel @p0 .LBB2_21-.Ltmp10, $4  }
0x140: {  	s7 =	sadd.s32 $0x100, s7;
	s9 =	sand.u32 $0x380, s6  }
0x141: {  	s8 =	sor.u32 s9, s8;
	v1 =	vadd.s32 v1, v2  }
0x142: {  	v2 =	vld [tilespmem:s8+$0xCC70];
	v3 =	vadd.s32 v3, v4  }
0x143: {  	v4 =	vld [tilespmem:s8+$0xCC30]  }
0x144: {  	(xrf0) =	vmax.scan.msk.f32 $0xffff, v0;
	_ =	sdelay $0x3  }
0x145: {  	v0 =	vld [tilespmem:$0x4200];
	_ =	sdelay $0x1  }
0x146: {  	v6 =	vld [tilespmem:$0x4280];
	v5, _, _ =	vpop (xrf0)  }
0x147: {  	v5 =	vbroadcast v5, $0xF  }
0x148: {  	v3 =	vadd.s32 v3, v4;
	v4 =	vld [tilespmem:$0x4300]  }
0x149: {  	[tilespmem:$0x4380] =	vst v3;
	v0 =	vsub.f32 v0, v5  }
0x14a: {  	v3 =	vld [tilespmem:$0x4380]  }
0x14b: {  	v6 =	vsub.f32 v6, v5;
	v0 =	vmul.f32 $1.442695020e+00, v0;
	_ =	sdelay $0x1  }
0x14c: {  	v4 =	vsub.f32 v4, v5;
	(erf) = vpow2.f32 v0;
	v0 =	vmul.f32 $1.442695020e+00, v6;
	_ =	sdelay $0x1  }
0x14d: {  	v3 =	vsub.f32 v3, v5;
	(erf) = vpow2.f32 v0;
	v0 =	vmul.f32 $1.442695020e+00, v4;
	_ =	sdelay $0x1  }
0x14e: {  	(erf) = vpow2.f32 v0;
	v0 =	vmul.f32 $1.442695020e+00, v3;
	_ =	sdelay $0x1  }
0x14f: {  	(erf) = vpow2.f32 v0;
	_ =	sdelay $0x2  }
0x150: {  	v0 =	vpop (erf)  }
0x151: {  	(xrf2) =	vadd.scan.msk.f32 $0xffff, v0  }
0x152: {  	v3 =	vpop (erf)  }
0x153: {  	(xrf2) =	vadd.scan.msk.f32 $0xffff, v3  }
0x154: {  	v4 =	vpop (erf)  }
0x155: {  	(xrf2) =	vadd.scan.msk.f32 $0xffff, v4  }
0x156: {  	v5 =	vpop (erf)  }
0x157: {  	(xrf2) =	vadd.scan.msk.f32 $0xffff, v5;
	_ =	sdelay $0x3  }
0x158: {  	v6, _, _ =	vpop (xrf2)  }
0x159: {  	(v2sf) =	vpush v6, $0xF  }
0x15a: {  	v6, _, _ =	vpop (xrf2)  }
0x15b: {  	(v2sf) =	vpush v6, $0xF  }
0x15c: {  	v6, _, _ =	vpop (xrf2)  }
0x15d: {  	(v2sf) =	vpush v6, $0xF  }
0x15e: {  	v6, _, _ =	vpop (xrf2)  }
0x15f: {  	(v2sf) =	vpush v6, $0xF;
	_ =	sdelay $0x8  }
0x160: {  	s6 =	spop (v2sf)  }
0x161: {  	s6 =	sadd.f32 $0.0e+00, s6  }
0x162: {  	s7 =	spop (v2sf)  }
0x163: {  	s6 =	sadd.f32 s7, s6  }
0x164: {  	s22 =	spop (v2sf)  }
0x165: {  	s6 =	sadd.f32 s22, s6  }
0x166: {  	s23 =	spop (v2sf)  }
0x167: {  	s6 =	sadd.f32 s23, s6;
	_ =	sdelay $0x1  }
0x168: {  	v6 =	vmov s6  }
0x169: {  	(erf) = vrcp.f32 v6;
	_ =	sdelay $0x5  }
0x16a: {  	v1 =	vadd.s32 v1, v2;
	_ =	sdelay $0x1  }
0x16b: {  	[tilespmem:$0x4580] =	vst v1  }
0x16c: {  	v2 =	vld [tilespmem:$0x4400];
	[tilespmem:$0x4600] =	vst v0;
	v1 =	vpop (erf)  }
0x16d: {  	[tilespmem:$0x4680] =	vst v3;
	v6 =	vlaneseq.u32;
	v0 =	vmul.f32 v0, v1  }
0x16e: {  	[tilespmem:$0x4700] =	vst v4;
	v7 =	vmul.u32 $0x4, v6;
	v3 =	vmul.f32 v3, v1  }
0x16f: {  	[tilespmem:$0x4600] =	vst v0;
	v0 =	vmul.f32 v4, v1  }
0x170: {  	[tilespmem:$0x4680] =	vst v3;
	v1 =	vmul.f32 v5, v1;
	v3 =	vor.u32 $0x1, v7  }
0x171: {  	s24 =	smul.u32 $0xC38, s0;
	v4 =	vor.u32 $0x2, v7;
	[tilespmem:$0x4700] =	vst v0;
	v0 =	vshra.s32 v2, $0x5  }
0x172: {  	[tilespmem:$0x4780] =	vst v1;
	v1 =	vand.u32 $0x7F, v2;
	v2 =	vor.u32 $0x3, v7;
	v0 =	vand.u32 $0xFFFFFFFC, v0  }
0x173: {  	s25 =	simm.s32 $0x4900;
	[tilespmem:$0x4A00] =	vst v1;
	v0 =	vadd.s32 s24, v0  }
0x174: {  	[tilespmem:v7+s25+$0x0] =	vst.idx.msk $0xffff, v0;
	v1 =	vor.u32 $0x1, v0  }
0x175: {  	[tilespmem:v3+s25+$0x0] =	vst.idx.msk $0xffff, v1;
	v1 =	vor.u32 $0x2, v0  }
0x176: {  	v0 =	vor.u32 $0x3, v0;
	[tilespmem:v4+s25+$0x0] =	vst.idx.msk $0xffff, v1  }
0x177: {  	[tilespmem:v2+s25+$0x0] =	vst.idx.msk $0xffff, v0  }
0x178: {  	v0 =	vld [tilespmem:$0x4480];
	_ =	sdelay $0x2  }
0x179: {  	v1 =	vor.u32 $0x40, v7  }
0x17a: {  	v2 =	vor.u32 $0x41, v7  }
0x17b: {  	v4 =	vor.u32 $0x42, v7;
	v3 =	vshra.s32 v0, $0x5  }
0x17c: {  	v5 =	vor.u32 $0x43, v7;
	v0 =	vand.u32 $0x7F, v0;
	v3 =	vand.u32 $0xFFFFFFFC, v3  }
0x17d: {  	[tilespmem:$0x4A10] =	vst v0;
	v3 =	vadd.s32 s24, v3  }
0x17e: {  	[tilespmem:v1+s25+$0x0] =	vst.idx.msk $0xffff, v3;
	v0 =	vor.u32 $0x1, v3  }
0x17f: {  	[tilespmem:v2+s25+$0x0] =	vst.idx.msk $0xffff, v0;
	v0 =	vor.u32 $0x2, v3  }
0x180: {  	[tilespmem:v4+s25+$0x0] =	vst.idx.msk $0xffff, v0;
	v0 =	vor.u32 $0x3, v3  }
0x181: {  	[tilespmem:v5+s25+$0x0] =	vst.idx.msk $0xffff, v0  }
0x182: {  	v0 =	vld [tilespmem:$0x4500];
	_ =	sdelay $0x2  }
0x183: {  	v1 =	vor.u32 $0x80, v7  }
0x184: {  	v2 =	vor.u32 $0x81, v7  }
0x185: {  	v4 =	vor.u32 $0x82, v7;
	v3 =	vshra.s32 v0, $0x5  }
0x186: {  	v5 =	vor.u32 $0x83, v7;
	v0 =	vand.u32 $0x7F, v0;
	v3 =	vand.u32 $0xFFFFFFFC, v3  }
0x187: {  	[tilespmem:$0x4A20] =	vst v0;
	v3 =	vadd.s32 s24, v3  }
0x188: {  	[tilespmem:v1+s25+$0x0] =	vst.idx.msk $0xffff, v3;
	v0 =	vor.u32 $0x1, v3  }
0x189: {  	[tilespmem:v2+s25+$0x0] =	vst.idx.msk $0xffff, v0;
	v0 =	vor.u32 $0x2, v3  }
0x18a: {  	[tilespmem:v4+s25+$0x0] =	vst.idx.msk $0xffff, v0;
	v0 =	vor.u32 $0x3, v3  }
0x18b: {  	[tilespmem:v5+s25+$0x0] =	vst.idx.msk $0xffff, v0  }
0x18c: {  	v0 =	vld [tilespmem:$0x4580];
	_ =	sdelay $0x2  }
0x18d: {  	v1 =	vor.u32 $0xC0, v7  }
0x18e: {  	v2 =	vor.u32 $0xC1, v7  }
0x18f: {  	v4 =	vor.u32 $0xC2, v7;
	v3 =	vshra.s32 v0, $0x5  }
0x190: {  	v5 =	vor.u32 $0xC3, v7;
	v0 =	vand.u32 $0x7F, v0;
	v3 =	vand.u32 $0xFFFFFFFC, v3  }
0x191: {  	[tilespmem:$0x4A30] =	vst v0;
	v3 =	vadd.s32 s24, v3  }
0x192: {  	[tilespmem:v1+s25+$0x0] =	vst.idx.msk $0xffff, v3;
	v0 =	vor.u32 $0x1, v3  }
0x193: {  	[tilespmem:v2+s25+$0x0] =	vst.idx.msk $0xffff, v0;
	v0 =	vor.u32 $0x2, v3  }
0x194: {  	s9 =	simm.s32 $0x0;
	v1 =	vshrl.u32 v6, $0x2;
	[tilespmem:v4+s25+$0x0] =	vst.idx.msk $0xffff, v0;
	v0 =	vor.u32 $0x3, v3  }
0x195: {  	s8 =	simm.s32 $0x100;
	s26 =	simm.s32 $0x1;
	s6 =	simm.s32 $0x4A80;
	v3 =	vor.u32 s9, v1;
	[tilespmem:v5+s25+$0x0] =	vst.idx.msk $0xffff, v0  }
0x196: {  	[tilespmem:s6], [sflag:$0x1] =	stream.indirect.gather [hbm4b:s3+s8], $0x80, s25, s8, $0xb8;
	[tilespmem:$0xDD00] =	vst v63  }
0x197: {  	s28 =	simm.s32 $0x4;
	_ =	swait.ge [sflag:s26], $0x8000  }
0x198: {  	v5 =	vor.u32 s28, v1;
	[sflag:s26] =	ssyncset.done $0x0  }
0x199: {  	s7 =	simm.s32 $0x4A00;
	[sflag:s26] =	ssyncadd.s32 $0xFFFF8000  }
0x19a: {  	v0 =	vmov s9;
	v4 =	vld.idx.msk [tilespmem:v3+s7+$0x0], $0xffff  }
0x19b: {  	v0 =	vshll.u32 v0, $0x3  }
0x19c: {  	v2 =	vand.u32 $0x3, v6;
	v6 =	vand.u32 $0xF, v3;
	v7 =	vand.u32 $0x180, v0  }
0x19d: {  	s30 =	simm.s32 $0xC;
	v6 =	vor.u32 v6, v7;
	v7 =	vld.idx.msk [tilespmem:v5+s7+$0x0], $0xffff  }
0x19e: {  	s29 =	simm.s32 $0x8;
	v10 =	vmov s28;
	v12 =	vmov s30  }
0x19f: {  	v9 =	vor.u32 s29, v1;
	v3 =	vshll.u32 v3, $0x9;
	v8 =	vand.u32 $0xFFFFFF80, v4  }
0x1a0: {  	v2 =	vmul.u32 $0x80, v2;
	v4 =	vand.u32 $0x7F, v4;
	v3 =	vadd.s32 v3, v8  }
0x1a1: {  	v12 =	vshll.u32 v12, $0x3;
	v0 =	vimm.f32 $0.0e+00;
	v3 =	vor.u32 v4, v3  }
0x1a2: {  	v14 =	vand.u32 $0xFFFFFF80, v7;
	v7 =	vand.u32 $0x7F, v7;
	v3 =	vadd.s32 v2, v3  }
0x1a3: {  	v8 =	vshll.u32 v10, $0x3;
	v10 =	vand.u32 $0xF, v5;
	v5 =	vshll.u32 v5, $0x9  }
0x1a4: {  	v13 =	vld.idx.msk [tilespmem:v9+s7+$0x0], $0xffff;
	v4 =	vand.u32 $0x180, v8;
	v8 =	vmov s29;
	v5 =	vadd.s32 v5, v14  }
0x1a5: {  	s8 =	simm.s32 $0x4600;
	v11 =	vor.u32 v10, v4;
	v8 =	vshll.u32 v8, $0x3;
	v4 =	vor.u32 s30, v1  }
0x1a6: {  	v14 =	vld.idx.msk [tilespmem:v6+s8+$0x0], $0xffff;
	v10 =	vand.u32 $0xF, v9;
	v5 =	vor.u32 v7, v5;
	v7 =	vand.u32 $0x180, v12  }
0x1a7: {  	s31 =	simm.s32 $0x10;
	v8 =	vand.u32 $0x180, v8;
	v6 =	vand.u32 $0xF, v4;
	v15 =	vadd.s32 v2, v5;
	v12 =	vld.idx.msk [tilespmem:v3+s6+$0x0], $0xffff  }
0x1a8: {  	v5 =	vor.u32 v6, v7;
	v6 =	vshll.u32 v9, $0x9;
	v7 =	vmov s31  }
0x1a9: {  	v9 =	vor.u32 s31, v1;
	v3 =	vor.u32 v10, v8;
	v8 =	vand.u32 $0xFFFFFF80, v13  }
0x1aa: {  	v7 =	vshll.u32 v7, $0x3;
	v13 =	vand.u32 $0x7F, v13;
	v10 =	vld.idx.msk [tilespmem:v4+s7+$0x0], $0xffff;
	v8 =	vadd.s32 v6, v8  }
0x1ab: {  	v16 =	vand.u32 $0x180, v7;
	v6 =	vld.idx.msk [tilespmem:v11+s8+$0x0], $0xffff;
	v11 =	vand.u32 $0xF, v9;
	v13 =	vor.u32 v13, v8  }
0x1ac: {  	s9 =	simm.s32 $0x14;
	v7 =	vld.idx.msk [tilespmem:v15+s6+$0x0], $0xffff;
	v8 =	vor.u32 v11, v16;
	v11 =	vadd.s32 v2, v13;
	v12 =	vmul.f32 v14, v12  }
.LBB2_23:
0x1ad: {  	p0 =	sne.s32 s9, $0x3C;
	s10 =	smov.u32 s9;
	s9 =	sadd.s32 $0x4, s9  }
.Ltmp11:
0x1ae: {  	v13 =	vshll.u32 v4, $0x9;
	v4 =	vmov v9;
	v0 =	vadd.f32 v12, v0;
	(pc) =	sbr.rel @p0 .LBB2_23-.Ltmp11, $4  }
0x1af: {  	v12 =	vmov s10;
	v16 =	vand.u32 $0xFFFFFF80, v10;
	v17 =	vand.u32 $0x7F, v10;
	v10 =	vld.idx.msk [tilespmem:v9+s7+$0x0], $0xffff  }
0x1b0: {  	v9 =	vor.u32 s10, v1;
	v12 =	vshll.u32 v12, $0x3;
	v13 =	vadd.s32 v13, v16;
	v14 =	vmovc v6;
	v6 =	vld.idx.msk [tilespmem:v3+s8+$0x0], $0xffff;
	v3 =	vmovc v5  }
0x1b1: {  	v16 =	vand.u32 $0xF, v9;
	v12 =	vand.u32 $0x180, v12;
	v13 =	vor.u32 v17, v13;
	v15 =	vmovc v7;
	v5 =	vmovc v8;
	v7 =	vld.idx.msk [tilespmem:v11+s6+$0x0], $0xffff  }
0x1b2: {  	v8 =	vor.u32 v16, v12;
	v11 =	vadd.s32 v2, v13;
	v12 =	vmul.f32 v14, v15  }
0x1b3: {  	_ =	sdelay $0x3  }
0x1b4: {  	v1 =	vld.idx.msk [tilespmem:v9+s7+$0x0], $0xffff;
	_ =	sdelay $0x2  }
0x1b5: {  	v4 =	vshll.u32 v4, $0x9;
	v13 =	vand.u32 $0xFFFFFF80, v10  }
0x1b6: {  	v56 =	vand.u32 $0x7F, v10;
	v4 =	vadd.s32 v4, v13  }
0x1b7: {  	v57 =	vshll.u32 v9, $0x9;
	v4 =	vor.u32 v56, v4;
	v58 =	vand.u32 $0xFFFFFF80, v1  }
0x1b8: {  	v4 =	vadd.s32 v2, v4;
	v1 =	vand.u32 $0x7F, v1;
	v9 =	vadd.s32 v57, v58  }
0x1b9: {  	v1 =	vor.u32 v1, v9  }
0x1ba: {  	v3 =	vld.idx.msk [tilespmem:v3+s8+$0x0], $0xffff;
	v1 =	vadd.s32 v2, v1  }
0x1bb: {  	v2 =	vld.idx.msk [tilespmem:v11+s6+$0x0], $0xffff  }
0x1bc: {  	v5 =	vld.idx.msk [tilespmem:v5+s8+$0x0], $0xffff  }
0x1bd: {  	v4 =	vld.idx.msk [tilespmem:v4+s6+$0x0], $0xffff  }
0x1be: {  	v59 =	vld.idx.msk [tilespmem:v8+s8+$0x0], $0xffff;
	v0 =	vadd.f32 v12, v0;
	v6 =	vmul.f32 v6, v7  }
0x1bf: {  	v1 =	vld.idx.msk [tilespmem:v1+s6+$0x0], $0xffff  }
0x1c0: {  	v0 =	vadd.f32 v6, v0;
	v2 =	vmul.f32 v3, v2;
	_ =	sdelay $0x1  }
0x1c1: {  	v3 =	vmul.f32 v5, v4;
	v2 =	vadd.f32 v2, v0  }
0x1c2: {  	v0 =	vlaneseq.u32  }
0x1c3: {  	v2 =	vadd.f32 v3, v2;
	v3 =	vmul.f32 v59, v1;
	v1 =	vand.u32 $0x3, v0  }
0x1c4: {  	v60 =	vor.u32 $0x4, v1  }
0x1c5: {  	v2 =	vadd.f32 v3, v2  }
0x1c6: {  	v3 =	vor.u32 $0x8, v1  }
0x1c7: {  	s26 =	simm.s32 $0xCA80;
	[tilespmem:$0xCA80] =	vst v2  }
0x1c8: {  	v61 =	vor.u32 $0xC, v0;
	v2 =	vld.idx.msk [tilespmem:v1+s26+$0x0], $0xffff  }
0x1c9: {  	s28 =	sshll.u32 s0, $0x2;
	v4 =	vld.idx.msk [tilespmem:v60+s26+$0x0], $0xffff  }
0x1ca: {  	v62 =	vor.u32 s28, v1  }
0x1cb: {  	v3 =	vld.idx.msk [tilespmem:v3+s26+$0x0], $0xffff;
	_ =	sdelay $0x1  }
0x1cc: {  	v5 =	vld.idx.msk [tilespmem:v61+s26+$0x0], $0xffff  }
0x1cd: {  	s29 =	simm.s32 $0xCB00;
	v2 =	vadd.f32 v4, v2  }
0x1ce: {  	v63 =	vld.idx.msk [tilespmem:v62+s29+$0x0], $0xffff  }
0x1cf: {  	v2 =	vadd.f32 v3, v2;
	_ =	sdelay $0x1  }
0x1d0: {  	v2 =	vadd.f32 v5, v2;
	_ =	sdelay $0x1  }
0x1d1: {  	v3 =	vmul.f32 $1.000000010e-01, v63;
	v2 =	vmul.f32 $8.999999760e-01, v2  }
0x1d2: {  	s5 =	sshll.u32 s5, $0xA  }
0x1d3: {  	s30 =	simm.s32 $0xCB80;
	s4 =	sor.u32 s4, s5;
	v2 =	vadd.f32 v2, v3  }
0x1d4: {  	s31 =	simm.s32 $0x2;
	p0 =	sgt.u32 s0, $0x1;
	s4 =	sshrl.u32 s4, $0x3  }
.Ltmp12:
0x1d5: {  	s5 =	simm.s32 $0x0;
	s4 =	sadd.s32 s2, s4;
	[tilespmem:$0xCB80] =	vst v2;
	(pc) =	sbr.rel @p0 .LBB2_28-.Ltmp12, $4  }
0x1d6: {  	[hbm4b:s4+s5] =	stream.linear.scatter [tilespmem:s30], [sflag:$0x2], $0x80, $0x38;
	[tilespmem:$0xDD00] =	vst v63  }
0x1d7: {  	_ =	swait.ge [sflag:s31], $0x80  }
0x1d8: {  	[sflag:s31] =	ssyncset.done $0x0  }
0x1d9: {  	[sflag:s31] =	ssyncadd.s32 $0xFFFFFF80  }
0x1da: {  	v2 =	vld [tilespmem:$0x4400];
	_ =	sdelay $0x1  }
0x1db: {  	v3 =	vmul.u32 $0x4, v0;
	_ =	sdelay $0x1  }
0x1dc: {  	s6 =	sor.u32 $0x10, s0;
	v4 =	vor.u32 $0x1, v3  }
0x1dd: {  	s4 =	smul.u32 $0xC38, s6;
	v6 =	vor.u32 $0x2, v3;
	v5 =	vshra.s32 v2, $0x5  }
0x1de: {  	v7 =	vor.u32 $0x3, v3;
	v2 =	vand.u32 $0x7F, v2;
	v5 =	vand.u32 $0xFFFFFFFC, v5  }
0x1df: {  	s7 =	simm.s32 $0x4900;
	[tilespmem:$0x4A00] =	vst v2;
	v5 =	vadd.s32 s4, v5  }
0x1e0: {  	[tilespmem:v3+s7+$0x0] =	vst.idx.msk $0xffff, v5;
	v2 =	vor.u32 $0x1, v5  }
0x1e1: {  	[tilespmem:v4+s7+$0x0] =	vst.idx.msk $0xffff, v2;
	v2 =	vor.u32 $0x2, v5  }
0x1e2: {  	[tilespmem:v6+s7+$0x0] =	vst.idx.msk $0xffff, v2;
	v2 =	vor.u32 $0x3, v5  }
0x1e3: {  	[tilespmem:v7+s7+$0x0] =	vst.idx.msk $0xffff, v2  }
0x1e4: {  	v2 =	vld [tilespmem:$0x4480];
	_ =	sdelay $0x2  }
0x1e5: {  	v4 =	vor.u32 $0x40, v3  }
0x1e6: {  	v5 =	vor.u32 $0x41, v3  }
0x1e7: {  	v7 =	vor.u32 $0x42, v3;
	v6 =	vshra.s32 v2, $0x5  }
0x1e8: {  	v8 =	vor.u32 $0x43, v3;
	v2 =	vand.u32 $0x7F, v2;
	v6 =	vand.u32 $0xFFFFFFFC, v6  }
0x1e9: {  	[tilespmem:$0x4A10] =	vst v2;
	v6 =	vadd.s32 s4, v6  }
0x1ea: {  	[tilespmem:v4+s7+$0x0] =	vst.idx.msk $0xffff, v6;
	v2 =	vor.u32 $0x1, v6  }
0x1eb: {  	[tilespmem:v5+s7+$0x0] =	vst.idx.msk $0xffff, v2;
	v2 =	vor.u32 $0x2, v6  }
0x1ec: {  	[tilespmem:v7+s7+$0x0] =	vst.idx.msk $0xffff, v2;
	v2 =	vor.u32 $0x3, v6  }
0x1ed: {  	[tilespmem:v8+s7+$0x0] =	vst.idx.msk $0xffff, v2  }
0x1ee: {  	v2 =	vld [tilespmem:$0x4500];
	_ =	sdelay $0x2  }
0x1ef: {  	v4 =	vor.u32 $0x80, v3  }
0x1f0: {  	v5 =	vor.u32 $0x81, v3  }
0x1f1: {  	v7 =	vor.u32 $0x82, v3;
	v6 =	vshra.s32 v2, $0x5  }
0x1f2: {  	v8 =	vor.u32 $0x83, v3;
	v2 =	vand.u32 $0x7F, v2;
	v6 =	vand.u32 $0xFFFFFFFC, v6  }
0x1f3: {  	[tilespmem:$0x4A20] =	vst v2;
	v6 =	vadd.s32 s4, v6  }
0x1f4: {  	[tilespmem:v4+s7+$0x0] =	vst.idx.msk $0xffff, v6;
	v2 =	vor.u32 $0x1, v6  }
0x1f5: {  	[tilespmem:v5+s7+$0x0] =	vst.idx.msk $0xffff, v2;
	v2 =	vor.u32 $0x2, v6  }
0x1f6: {  	[tilespmem:v7+s7+$0x0] =	vst.idx.msk $0xffff, v2;
	v2 =	vor.u32 $0x3, v6  }
0x1f7: {  	[tilespmem:v8+s7+$0x0] =	vst.idx.msk $0xffff, v2  }
0x1f8: {  	v2 =	vld [tilespmem:$0x4580];
	_ =	sdelay $0x2  }
0x1f9: {  	v4 =	vor.u32 $0xC0, v3  }
0x1fa: {  	v5 =	vor.u32 $0xC1, v3  }
0x1fb: {  	v7 =	vor.u32 $0xC2, v3;
	v6 =	vshra.s32 v2, $0x5  }
0x1fc: {  	v3 =	vor.u32 $0xC3, v3;
	v2 =	vand.u32 $0x7F, v2;
	v6 =	vand.u32 $0xFFFFFFFC, v6  }
0x1fd: {  	[tilespmem:$0x4A30] =	vst v2;
	v6 =	vadd.s32 s4, v6  }
0x1fe: {  	[tilespmem:v4+s7+$0x0] =	vst.idx.msk $0xffff, v6;
	v2 =	vor.u32 $0x1, v6  }
0x1ff: {  	[tilespmem:v5+s7+$0x0] =	vst.idx.msk $0xffff, v2;
	v2 =	vor.u32 $0x2, v6  }
0x200: {  	[tilespmem:v7+s7+$0x0] =	vst.idx.msk $0xffff, v2;
	v2 =	vor.u32 $0x3, v6  }
0x201: {  	[tilespmem:v3+s7+$0x0] =	vst.idx.msk $0xffff, v2;
	v3 =	vshrl.u32 v0, $0x2  }
0x202: {  	s8 =	simm.s32 $0x100;
	s24 =	simm.s32 $0x1;
	s4 =	simm.s32 $0x4A80;
	v4 =	vor.u32 s5, v3  }
0x203: {  	[tilespmem:s4], [sflag:$0x1] =	stream.indirect.gather [hbm4b:s3+s8], $0x80, s7, s8, $0xb8;
	[tilespmem:$0xDD00] =	vst v63  }
0x204: {  	s25 =	simm.s32 $0x4;
	_ =	swait.ge [sflag:s24], $0x8000  }
0x205: {  	v6 =	vor.u32 s25, v3;
	[sflag:s24] =	ssyncset.done $0x0  }
0x206: {  	s3 =	simm.s32 $0x4A00;
	[sflag:s24] =	ssyncadd.s32 $0xFFFF8000  }
0x207: {  	v0 =	vmov s5;
	v5 =	vld.idx.msk [tilespmem:v4+s3+$0x0], $0xffff  }
0x208: {  	v2 =	vshll.u32 v0, $0x3  }
0x209: {  	v7 =	vand.u32 $0xF, v4;
	v8 =	vand.u32 $0x180, v2  }
0x20a: {  	s29 =	simm.s32 $0xC;
	s26 =	sshll.u32 s6, $0x2;
	v7 =	vor.u32 v7, v8;
	v8 =	vld.idx.msk [tilespmem:v6+s3+$0x0], $0xffff  }
0x20b: {  	s28 =	simm.s32 $0x8;
	v11 =	vmov s25;
	v13 =	vmov s29;
	v0 =	vor.u32 s26, v1  }
0x20c: {  	v10 =	vor.u32 s28, v3;
	v4 =	vshll.u32 v4, $0x9;
	v9 =	vand.u32 $0xFFFFFF80, v5  }
0x20d: {  	v1 =	vmul.u32 $0x80, v1;
	v5 =	vand.u32 $0x7F, v5;
	v4 =	vadd.s32 v4, v9  }
0x20e: {  	v13 =	vshll.u32 v13, $0x3;
	v2 =	vimm.f32 $0.0e+00;
	v4 =	vor.u32 v5, v4  }
0x20f: {  	v15 =	vand.u32 $0xFFFFFF80, v8;
	v8 =	vand.u32 $0x7F, v8;
	v4 =	vadd.s32 v1, v4  }
0x210: {  	v9 =	vshll.u32 v11, $0x3;
	v11 =	vand.u32 $0xF, v6;
	v6 =	vshll.u32 v6, $0x9  }
0x211: {  	v14 =	vld.idx.msk [tilespmem:v10+s3+$0x0], $0xffff;
	v5 =	vand.u32 $0x180, v9;
	v9 =	vmov s28;
	v6 =	vadd.s32 v6, v15  }
0x212: {  	s5 =	simm.s32 $0x4600;
	v12 =	vor.u32 v11, v5;
	v9 =	vshll.u32 v9, $0x3;
	v5 =	vor.u32 s29, v3  }
0x213: {  	v15 =	vld.idx.msk [tilespmem:v7+s5+$0x0], $0xffff;
	v11 =	vand.u32 $0xF, v10;
	v6 =	vor.u32 v8, v6;
	v8 =	vand.u32 $0x180, v13  }
0x214: {  	s30 =	simm.s32 $0x10;
	v9 =	vand.u32 $0x180, v9;
	v7 =	vand.u32 $0xF, v5;
	v16 =	vadd.s32 v1, v6;
	v13 =	vld.idx.msk [tilespmem:v4+s4+$0x0], $0xffff  }
0x215: {  	v6 =	vor.u32 v7, v8;
	v7 =	vshll.u32 v10, $0x9;
	v8 =	vmov s30  }
0x216: {  	v10 =	vor.u32 s30, v3;
	v4 =	vor.u32 v11, v9;
	v9 =	vand.u32 $0xFFFFFF80, v14  }
0x217: {  	s31 =	sshll.u32 s0, $0x4;
	v8 =	vshll.u32 v8, $0x3;
	v14 =	vand.u32 $0x7F, v14;
	v11 =	vld.idx.msk [tilespmem:v5+s3+$0x0], $0xffff;
	v9 =	vadd.s32 v7, v9  }
0x218: {  	s2 =	sadd.s32 s31, s2;
	v17 =	vand.u32 $0x180, v8;
	v7 =	vld.idx.msk [tilespmem:v12+s5+$0x0], $0xffff;
	v12 =	vand.u32 $0xF, v10;
	v14 =	vor.u32 v14, v9  }
0x219: {  	s6 =	simm.s32 $0x14;
	s2 =	sadd.s32 $0x100, s2;
	v8 =	vld.idx.msk [tilespmem:v16+s4+$0x0], $0xffff;
	v9 =	vor.u32 v12, v17;
	v12 =	vadd.s32 v1, v14;
	v13 =	vmul.f32 v15, v13  }
.LBB2_26:
0x21a: {  	p0 =	sne.s32 s6, $0x3C;
	s7 =	smov.u32 s6;
	s6 =	sadd.s32 $0x4, s6  }
.Ltmp13:
0x21b: {  	v14 =	vshll.u32 v5, $0x9;
	v5 =	vmov v10;
	v2 =	vadd.f32 v13, v2;
	(pc) =	sbr.rel @p0 .LBB2_26-.Ltmp13, $4  }
0x21c: {  	v13 =	vmov s7;
	v17 =	vand.u32 $0xFFFFFF80, v11;
	v18 =	vand.u32 $0x7F, v11;
	v11 =	vld.idx.msk [tilespmem:v10+s3+$0x0], $0xffff  }
0x21d: {  	v10 =	vor.u32 s7, v3;
	v13 =	vshll.u32 v13, $0x3;
	v14 =	vadd.s32 v14, v17;
	v15 =	vmovc v7;
	v7 =	vld.idx.msk [tilespmem:v4+s5+$0x0], $0xffff;
	v4 =	vmovc v6  }
0x21e: {  	v17 =	vand.u32 $0xF, v10;
	v13 =	vand.u32 $0x180, v13;
	v14 =	vor.u32 v18, v14;
	v16 =	vmovc v8;
	v6 =	vmovc v9;
	v8 =	vld.idx.msk [tilespmem:v12+s4+$0x0], $0xffff  }
0x21f: {  	v9 =	vor.u32 v17, v13;
	v12 =	vadd.s32 v1, v14;
	v13 =	vmul.f32 v15, v16  }
0x220: {  	_ =	sdelay $0x3  }
0x221: {  	v3 =	vld.idx.msk [tilespmem:v10+s3+$0x0], $0xffff;
	_ =	sdelay $0x2  }
0x222: {  	v5 =	vshll.u32 v5, $0x9;
	v14 =	vand.u32 $0xFFFFFF80, v11  }
0x223: {  	v51 =	vand.u32 $0x7F, v11;
	v5 =	vadd.s32 v5, v14  }
0x224: {  	v52 =	vshll.u32 v10, $0x9;
	v5 =	vor.u32 v51, v5;
	v53 =	vand.u32 $0xFFFFFF80, v3  }
0x225: {  	v5 =	vadd.s32 v1, v5;
	v3 =	vand.u32 $0x7F, v3;
	v10 =	vadd.s32 v52, v53  }
0x226: {  	v3 =	vor.u32 v3, v10  }
0x227: {  	v4 =	vld.idx.msk [tilespmem:v4+s5+$0x0], $0xffff;
	v54 =	vadd.s32 v1, v3  }
0x228: {  	v55 =	vld.idx.msk [tilespmem:v12+s4+$0x0], $0xffff  }
0x229: {  	v6 =	vld.idx.msk [tilespmem:v6+s5+$0x0], $0xffff  }
0x22a: {  	v5 =	vld.idx.msk [tilespmem:v5+s4+$0x0], $0xffff  }
0x22b: {  	v56 =	vld.idx.msk [tilespmem:v9+s5+$0x0], $0xffff;
	v2 =	vadd.f32 v13, v2;
	v7 =	vmul.f32 v7, v8  }
0x22c: {  	v1 =	vld.idx.msk [tilespmem:v54+s4+$0x0], $0xffff  }
0x22d: {  	v2 =	vadd.f32 v7, v2;
	v3 =	vmul.f32 v4, v55;
	_ =	sdelay $0x1  }
0x22e: {  	v2 =	vadd.f32 v3, v2;
	v57 =	vmul.f32 v6, v5  }
0x22f: {  	v58 =	vlaneseq.u32  }
0x230: {  	v59 =	vand.u32 $0x3, v58;
	v2 =	vadd.f32 v57, v2;
	v1 =	vmul.f32 v56, v1  }
0x231: {  	v60 =	vor.u32 $0x4, v59  }
0x232: {  	v1 =	vadd.f32 v1, v2  }
0x233: {  	v61 =	vor.u32 $0x8, v59  }
0x234: {  	s26 =	simm.s32 $0xCA80;
	[tilespmem:$0xCA80] =	vst v1  }
0x235: {  	v62 =	vor.u32 $0xC, v58;
	v1 =	vld.idx.msk [tilespmem:v59+s26+$0x0], $0xffff  }
0x236: {  	v63 =	vld.idx.msk [tilespmem:v60+s26+$0x0], $0xffff;
	_ =	sdelay $0x1  }
0x237: {  	v2 =	vld.idx.msk [tilespmem:v61+s26+$0x0], $0xffff;
	_ =	sdelay $0x1  }
0x238: {  	v3 =	vld.idx.msk [tilespmem:v62+s26+$0x0], $0xffff  }
0x239: {  	s28 =	simm.s32 $0xCB00;
	v1 =	vadd.f32 v63, v1  }
0x23a: {  	v0 =	vld.idx.msk [tilespmem:v0+s28+$0x0], $0xffff  }
0x23b: {  	v1 =	vadd.f32 v2, v1;
	_ =	sdelay $0x1  }
0x23c: {  	v1 =	vadd.f32 v3, v1;
	_ =	sdelay $0x1  }
0x23d: {  	v0 =	vmul.f32 $1.000000010e-01, v0;
	v1 =	vmul.f32 $8.999999760e-01, v1;
	_ =	sdelay $0x1  }
0x23e: {  	v0 =	vadd.f32 v1, v0;
	_ =	sdelay $0x1  }
0x23f: {  	s29 =	simm.s32 $0x0;
	s30 =	simm.s32 $0xCB80;
	s31 =	simm.s32 $0x2;
	[tilespmem:$0xCB80] =	vst v0  }
0x240: {  	[hbm4b:s2+s29] =	stream.linear.scatter [tilespmem:s30], [sflag:$0x2], $0x80, $0x38;
	[tilespmem:$0xDD00] =	vst v63  }
0x241: {  	_ =	swait.ge [sflag:s31], $0x80  }
0x242: {  	[sflag:s31] =	ssyncset.done $0x0  }
0x243: {  	[sflag:s31] =	ssyncadd.s32 $0xFFFFFF80  }
.LBB2_28:
0x244: {  	_ =	sfence.sel $0x180000  }
0x245: {  	[bflag:$0x0] =	sbarrier.arrive $0xFFFF  }
0x246: {  	p0 =	sne.s32 s0, $0x0;
	_ =	strace $0x90000047  }
0x247: {  	s0 =	sadd.s32 @!p0 $0x100000, s1;
	[bflag:$0x2] =	sbarrier.arrive $0xFFFF  }
0x248: {  	[sflag:s0] =	ssyncadd.tile.s32 @!p0 $0x1;
	_ =	shalt  }
.Lfunc_end2:
_tile_overlayer_lowered:
.L_overlay_start_2:
0x249: {  	(tag) =	ssettag $0x2  }
0x24a: {  	s0 =	rddreg [dreg:$0x0];
	s2 =	stileid.u32  }
0x24b: {  	s1 =	rddreg [dreg:$0x1];
	p0 =	sne.s32 s2, $0x0  }
0x24c: {  	s3 =	rddreg [dreg:$0x2];
	[bflag:$0x3] =	sbarrier.arrive $0xFFFF;
	s2 =	simm.s32 @!p0 $0x1C02  }
0x24d: {  	[timem:s3], [sflag:s2] =	dma.local @!p0 [hbm:s0], s1  }
0x24e: {  	s0 =	simm.s32 @!p0 $0x2  }
0x24f: {  	_ =	swait.ge @!p0 [sflag:s0], s1  }
0x250: {  	s1 =	ssub.s32 @!p0 $0x0, s1;
	[sflag:s0] =	ssyncset.done @!p0 $0x0  }
0x251: {  	[sflag:s0] =	ssyncadd.s32 @!p0 s1  }
0x252: {  	[bflag:$0x3] =	sbarrier.arrive $0xFFFF  }
0x253: {  	_ =	shalt  }

</sc_bundles>
